<compile_context>
chip_gen: v7x
topology: tpu7x:2x2x1
jax: 0.10.2.dev20260603
libtpu: 0.0.44.dev20260713+nightly
codegen_flags: <defaults>
</compile_context>

<pallas_src>
import jax
import jax.numpy as jnp
from jax import lax
from jax.experimental import pallas as pl
from jax.experimental.pallas import tpu as pltpu
from jax.experimental.pallas import tpu_sc as plsc

_B = 16384
_C = 1000
_NC = 2
_NS = 16
_NW = _NC * _NS
_RPW = _B // _NW
_CHUNK = 32
_NCHUNK = _RPW // _CHUNK
_L = 16


def _body(x_hbm, out_hbm, x_v, buf, s0, s1, sx):
    wid = lax.axis_index("s") * _NC + lax.axis_index("c")
    base_row = wid * _RPW
    sems = (s0, s1)

    cp_x = pltpu.make_async_copy(x_hbm.at[pl.ds(base_row, _RPW)], x_v, sx)
    cp_x.start()

    zvec = jnp.zeros((_L,), jnp.float32)
    ones = jnp.ones((_L,), jnp.float32)
    iota = lax.iota(jnp.int32, _L)

    def memset_half(half):
        @pl.loop(half * _CHUNK, (half + 1) * _CHUNK)
        def _zero(r):
            for c in range(62):
                buf[r, pl.ds(c * _L, _L)] = zvec
            buf[r, pl.ds(_C - _L, _L)] = zvec

    def scatter(chunk, value):
        half = chunk % 2
        for j in range(_CHUNK // _L):
            rows = half * _CHUNK + j * _L + iota
            cols = x_v[pl.ds(chunk * _CHUNK + j * _L, _L)]
            plsc.store_scatter(buf, [rows, cols], value)

    def fire(chunk):
        half = chunk % 2
        cp = pltpu.make_async_copy(
            buf.at[pl.ds(half * _CHUNK, _CHUNK)],
            out_hbm.at[pl.ds(base_row + chunk * _CHUNK, _CHUNK)],
            sems[half],
        )
        cp.start()
        return cp

    memset_half(0)
    cp_x.wait()
    scatter(0, ones)
    copies = [fire(0)]
    memset_half(1)
    scatter(1, ones)
    copies.append(fire(1))
    for c in range(2, _NCHUNK):
        copies[c - 2].wait()
        scatter(c - 2, zvec)
        scatter(c, ones)
        copies.append(fire(c))
    copies[-2].wait()
    copies[-1].wait()


_onehot_sc = pl.kernel(
    _body,
    out_type=jax.ShapeDtypeStruct((_B, _C), jnp.float32),
    mesh=plsc.VectorSubcoreMesh(core_axis_name="c", subcore_axis_name="s"),
    scratch_types=[
        pltpu.VMEM((_RPW,), jnp.int32),
        pltpu.VMEM((2 * _CHUNK, _C), jnp.float32),
        pltpu.SemaphoreType.DMA,
        pltpu.SemaphoreType.DMA,
        pltpu.SemaphoreType.DMA,
    ],
    compiler_params=pltpu.CompilerParams(needs_layout_passes=False),
)


@jax.jit
def kernel(x):
    x = jnp.squeeze(x).astype(jnp.int32)
    return _onehot_sc(x)

# --- scband reference (transcript-rebuilt; emitter-appended) ---
"""Pipeline reference for scband-one-hot-encode-79276506349908 (READ-ONLY COPY).

The authoritative reference and input builder live on the scoring server;
editing this copy changes nothing except your own understanding.
"""

import jax, jax.numpy as jnp
import numpy as np

NUM_CLASSES = 1000
BATCH = 16384

def setup_inputs(seed: int = 0) -> dict:
    key = jax.random.key(seed)
    x = jax.random.randint(key, (BATCH,), 0, NUM_CLASSES, dtype=jnp.int64 if jax.config.jax_enable_x64 else jnp.int32)
    return {"x": x}

def reference(x) -> jnp.ndarray:
    # torch: one_hot(x.squeeze().long(), num_classes).float()
    x = jnp.squeeze(x)
    x = x.astype(jnp.int32)
    # Faithful one-hot: compare against class range (equivalent to identity-row gather)
    out = jax.nn.one_hot(x, NUM_CLASSES, dtype=jnp.float32)
    return out

if __name__ == "__main__":
    import jax
    _d = setup_inputs()
    print(jax.jit(kernel)(*tuple(_d.values())))

</pallas_src>

<mosaic_0001>
#map = affine_map<(d0, d1) -> (0)>
#map1 = affine_map<(d0, d1) -> (0, 0)>
module attributes {stable_mosaic.version = 14 : i64} {
  func.func @_body(%arg0: i32, %arg1: i32, %arg2: memref<16384xi32, #tpu.memory_space<hbm>>, %arg3: memref<16384x1000xf32, #tpu.memory_space<hbm>>, %arg4: memref<512xi32, #tpu.memory_space<vmem>>, %arg5: memref<64x1000xf32, #tpu.memory_space<vmem>>, %arg6: memref<!tpu.dma_semaphore, #tpu.memory_space<semaphore_mem>>, %arg7: memref<!tpu.dma_semaphore, #tpu.memory_space<semaphore_mem>>, %arg8: memref<!tpu.dma_semaphore, #tpu.memory_space<semaphore_mem>>) attributes {dimension_semantics = [#tpu.dimension_semantics<core_parallel>, #tpu.dimension_semantics<subcore_parallel>], iteration_bounds = array<i64: 2, 16>, scalar_prefetch = 0 : i64, scratch_operands = 5 : i64, tpu.core_type = #tpu.core_type<sc_vector_subcore>, window_params = [{transform_indices = #map}, {transform_indices = #map1}]} {
    %mul3A = arith.constant 2 : i32
    %mul3A_0 = arith.muli %arg1, %mul3A : i32
    %add3A = arith.addi %mul3A_0, %arg0 : i32
    %mul3A_1 = arith.constant 512 : i32
    %mul3A_2 = arith.muli %add3A, %mul3A_1 : i32
    %dma_start3A = tpu.memref_slice %arg2[%mul3A_2] : memref<16384xi32, #tpu.memory_space<hbm>> -> memref<512xi32, #tpu.memory_space<hbm>>
    %dma_start3A_3 = tpu.memref_slice %arg2[%mul3A_2] : memref<16384xi32, #tpu.memory_space<hbm>> -> memref<512xi32, #tpu.memory_space<hbm>>
    tpu.enqueue_dma source(%dma_start3A_3 : memref<512xi32, #tpu.memory_space<hbm>>) target(%arg4 : memref<512xi32, #tpu.memory_space<vmem>>) target_semaphore(%arg8 : memref<!tpu.dma_semaphore, #tpu.memory_space<semaphore_mem>>)
    %broadcast_in_dim3A = arith.constant 0.000000e+00 : f32
    %broadcast_in_dim3A_4 = vector.broadcast %broadcast_in_dim3A : f32 to vector<16xf32>
    %broadcast_in_dim3A_5 = arith.constant 1.000000e+00 : f32
    %broadcast_in_dim3A_6 = vector.broadcast %broadcast_in_dim3A_5 : f32 to vector<16xf32>
    %iota3A = tpu.iota {dimensions = array<i32: 0>} : vector<16xi32>
    %scan3A = arith.constant 0 : i32
    %scan3A_7 = arith.constant 32 : i32
    %scan3A_8 = arith.addi %scan3A, %scan3A_7 : i32
    %scan3A_9 = arith.constant 1 : i32
    scf.for %scan3A_668 = %scan3A to %scan3A_8 step %scan3A_9  : i32 {
      %mul3A_669 = arith.constant 1 : i32
      %mul3A_670 = arith.muli %scan3A_668, %mul3A_669 : i32
      %add3A_671 = arith.constant 0 : i32
      %add3A_672 = arith.addi %add3A_671, %mul3A_670 : i32
      %swap3A = arith.index_cast %add3A_672 : i32 to index
      %swap3A_673 = arith.constant 0 : index
      %swap3A_674 = tpu.vector_load %arg5[%swap3A, %swap3A_673] {strides = array<i32>} : memref<64x1000xf32, #tpu.memory_space<vmem>>, vector<16xf32>,
      tpu.vector_store %arg5[%swap3A, %swap3A_673], %broadcast_in_dim3A_4 {strides = array<i32>} : memref<64x1000xf32, #tpu.memory_space<vmem>>, vector<16xf32>,
      %swap3A_675 = arith.index_cast %add3A_672 : i32 to index
      %swap3A_676 = arith.constant 16 : index
      %swap3A_677 = tpu.vector_load %arg5[%swap3A_675, %swap3A_676] {strides = array<i32>} : memref<64x1000xf32, #tpu.memory_space<vmem>>, vector<16xf32>,
      tpu.vector_store %arg5[%swap3A_675, %swap3A_676], %broadcast_in_dim3A_4 {strides = array<i32>} : memref<64x1000xf32, #tpu.memory_space<vmem>>, vector<16xf32>,
      %swap3A_678 = arith.index_cast %add3A_672 : i32 to index
      %swap3A_679 = arith.constant 32 : index
      %swap3A_680 = tpu.vector_load %arg5[%swap3A_678, %swap3A_679] {strides = array<i32>} : memref<64x1000xf32, #tpu.memory_space<vmem>>, vector<16xf32>,
      tpu.vector_store %arg5[%swap3A_678, %swap3A_679], %broadcast_in_dim3A_4 {strides = array<i32>} : memref<64x1000xf32, #tpu.memory_space<vmem>>, vector<16xf32>,
      %swap3A_681 = arith.index_cast %add3A_672 : i32 to index
      %swap3A_682 = arith.constant 48 : index
      %swap3A_683 = tpu.vector_load %arg5[%swap3A_681, %swap3A_682] {strides = array<i32>} : memref<64x1000xf32, #tpu.memory_space<vmem>>, vector<16xf32>,
      tpu.vector_store %arg5[%swap3A_681, %swap3A_682], %broadcast_in_dim3A_4 {strides = array<i32>} : memref<64x1000xf32, #tpu.memory_space<vmem>>, vector<16xf32>,
      %swap3A_684 = arith.index_cast %add3A_672 : i32 to index
      %swap3A_685 = arith.constant 64 : index
      %swap3A_686 = tpu.vector_load %arg5[%swap3A_684, %swap3A_685] {strides = array<i32>} : memref<64x1000xf32, #tpu.memory_space<vmem>>, vector<16xf32>,
      tpu.vector_store %arg5[%swap3A_684, %swap3A_685], %broadcast_in_dim3A_4 {strides = array<i32>} : memref<64x1000xf32, #tpu.memory_space<vmem>>, vector<16xf32>,
      %swap3A_687 = arith.index_cast %add3A_672 : i32 to index
      %swap3A_688 = arith.constant 80 : index
      %swap3A_689 = tpu.vector_load %arg5[%swap3A_687, %swap3A_688] {strides = array<i32>} : memref<64x1000xf32, #tpu.memory_space<vmem>>, vector<16xf32>,
      tpu.vector_store %arg5[%swap3A_687, %swap3A_688], %broadcast_in_dim3A_4 {strides = array<i32>} : memref<64x1000xf32, #tpu.memory_space<vmem>>, vector<16xf32>,
      %swap3A_690 = arith.index_cast %add3A_672 : i32 to index
      %swap3A_691 = arith.constant 96 : index
      %swap3A_692 = tpu.vector_load %arg5[%swap3A_690, %swap3A_691] {strides = array<i32>} : memref<64x1000xf32, #tpu.memory_space<vmem>>, vector<16xf32>,
      tpu.vector_store %arg5[%swap3A_690, %swap3A_691], %broadcast_in_dim3A_4 {strides = array<i32>} : memref<64x1000xf32, #tpu.memory_space<vmem>>, vector<16xf32>,
      %swap3A_693 = arith.index_cast %add3A_672 : i32 to index
      %swap3A_694 = arith.constant 112 : index
      %swap3A_695 = tpu.vector_load %arg5[%swap3A_693, %swap3A_694] {strides = array<i32>} : memref<64x1000xf32, #tpu.memory_space<vmem>>, vector<16xf32>,
      tpu.vector_store %arg5[%swap3A_693, %swap3A_694], %broadcast_in_dim3A_4 {strides = array<i32>} : memref<64x1000xf32, #tpu.memory_space<vmem>>, vector<16xf32>,
      %swap3A_696 = arith.index_cast %add3A_672 : i32 to index
      %swap3A_697 = arith.constant 128 : index
      %swap3A_698 = tpu.vector_load %arg5[%swap3A_696, %swap3A_697] {strides = array<i32>} : memref<64x1000xf32, #tpu.memory_space<vmem>>, vector<16xf32>,
      tpu.vector_store %arg5[%swap3A_696, %swap3A_697], %broadcast_in_dim3A_4 {strides = array<i32>} : memref<64x1000xf32, #tpu.memory_space<vmem>>, vector<16xf32>,
      %swap3A_699 = arith.index_cast %add3A_672 : i32 to index
      %swap3A_700 = arith.constant 144 : index
      %swap3A_701 = tpu.vector_load %arg5[%swap3A_699, %swap3A_700] {strides = array<i32>} : memref<64x1000xf32, #tpu.memory_space<vmem>>, vector<16xf32>,
      tpu.vector_store %arg5[%swap3A_699, %swap3A_700], %broadcast_in_dim3A_4 {strides = array<i32>} : memref<64x1000xf32, #tpu.memory_space<vmem>>, vector<16xf32>,
      %swap3A_702 = arith.index_cast %add3A_672 : i32 to index
      %swap3A_703 = arith.constant 160 : index
      %swap3A_704 = tpu.vector_load %arg5[%swap3A_702, %swap3A_703] {strides = array<i32>} : memref<64x1000xf32, #tpu.memory_space<vmem>>, vector<16xf32>,
      tpu.vector_store %arg5[%swap3A_702, %swap3A_703], %broadcast_in_dim3A_4 {strides = array<i32>} : memref<64x1000xf32, #tpu.memory_space<vmem>>, vector<16xf32>,
      %swap3A_705 = arith.index_cast %add3A_672 : i32 to index
      %swap3A_706 = arith.constant 176 : index
      %swap3A_707 = tpu.vector_load %arg5[%swap3A_705, %swap3A_706] {strides = array<i32>} : memref<64x1000xf32, #tpu.memory_space<vmem>>, vector<16xf32>,
      tpu.vector_store %arg5[%swap3A_705, %swap3A_706], %broadcast_in_dim3A_4 {strides = array<i32>} : memref<64x1000xf32, #tpu.memory_space<vmem>>, vector<16xf32>,
      %swap3A_708 = arith.index_cast %add3A_672 : i32 to index
      %swap3A_709 = arith.constant 192 : index
      %swap3A_710 = tpu.vector_load %arg5[%swap3A_708, %swap3A_709] {strides = array<i32>} : memref<64x1000xf32, #tpu.memory_space<vmem>>, vector<16xf32>,
      tpu.vector_store %arg5[%swap3A_708, %swap3A_709], %broadcast_in_dim3A_4 {strides = array<i32>} : memref<64x1000xf32, #tpu.memory_space<vmem>>, vector<16xf32>,
      %swap3A_711 = arith.index_cast %add3A_672 : i32 to index
      %swap3A_712 = arith.constant 208 : index
      %swap3A_713 = tpu.vector_load %arg5[%swap3A_711, %swap3A_712] {strides = array<i32>} : memref<64x1000xf32, #tpu.memory_space<vmem>>, vector<16xf32>,
      tpu.vector_store %arg5[%swap3A_711, %swap3A_712], %broadcast_in_dim3A_4 {strides = array<i32>} : memref<64x1000xf32, #tpu.memory_space<vmem>>, vector<16xf32>,
      %swap3A_714 = arith.index_cast %add3A_672 : i32 to index
      %swap3A_715 = arith.constant 224 : index
      %swap3A_716 = tpu.vector_load %arg5[%swap3A_714, %swap3A_715] {strides = array<i32>} : memref<64x1000xf32, #tpu.memory_space<vmem>>, vector<16xf32>,
      tpu.vector_store %arg5[%swap3A_714, %swap3A_715], %broadcast_in_dim3A_4 {strides = array<i32>} : memref<64x1000xf32, #tpu.memory_space<vmem>>, vector<16xf32>,
      %swap3A_717 = arith.index_cast %add3A_672 : i32 to index
      %swap3A_718 = arith.constant 240 : index
      %swap3A_719 = tpu.vector_load %arg5[%swap3A_717, %swap3A_718] {strides = array<i32>} : memref<64x1000xf32, #tpu.memory_space<vmem>>, vector<16xf32>,
      tpu.vector_store %arg5[%swap3A_717, %swap3A_718], %broadcast_in_dim3A_4 {strides = array<i32>} : memref<64x1000xf32, #tpu.memory_space<vmem>>, vector<16xf32>,
      %swap3A_720 = arith.index_cast %add3A_672 : i32 to index
      %swap3A_721 = arith.constant 256 : index
      %swap3A_722 = tpu.vector_load %arg5[%swap3A_720, %swap3A_721] {strides = array<i32>} : memref<64x1000xf32, #tpu.memory_space<vmem>>, vector<16xf32>,
      tpu.vector_store %arg5[%swap3A_720, %swap3A_721], %broadcast_in_dim3A_4 {strides = array<i32>} : memref<64x1000xf32, #tpu.memory_space<vmem>>, vector<16xf32>,
      %swap3A_723 = arith.index_cast %add3A_672 : i32 to index
      %swap3A_724 = arith.constant 272 : index
      %swap3A_725 = tpu.vector_load %arg5[%swap3A_723, %swap3A_724] {strides = array<i32>} : memref<64x1000xf32, #tpu.memory_space<vmem>>, vector<16xf32>,
      tpu.vector_store %arg5[%swap3A_723, %swap3A_724], %broadcast_in_dim3A_4 {strides = array<i32>} : memref<64x1000xf32, #tpu.memory_space<vmem>>, vector<16xf32>,
      %swap3A_726 = arith.index_cast %add3A_672 : i32 to index
      %swap3A_727 = arith.constant 288 : index
      %swap3A_728 = tpu.vector_load %arg5[%swap3A_726, %swap3A_727] {strides = array<i32>} : memref<64x1000xf32, #tpu.memory_space<vmem>>, vector<16xf32>,
      tpu.vector_store %arg5[%swap3A_726, %swap3A_727], %broadcast_in_dim3A_4 {strides = array<i32>} : memref<64x1000xf32, #tpu.memory_space<vmem>>, vector<16xf32>,
      %swap3A_729 = arith.index_cast %add3A_672 : i32 to index
      %swap3A_730 = arith.constant 304 : index
      %swap3A_731 = tpu.vector_load %arg5[%swap3A_729, %swap3A_730] {strides = array<i32>} : memref<64x1000xf32, #tpu.memory_space<vmem>>, vector<16xf32>,
      tpu.vector_store %arg5[%swap3A_729, %swap3A_730], %broadcast_in_dim3A_4 {strides = array<i32>} : memref<64x1000xf32, #tpu.memory_space<vmem>>, vector<16xf32>,
      %swap3A_732 = arith.index_cast %add3A_672 : i32 to index
      %swap3A_733 = arith.constant 320 : index
      %swap3A_734 = tpu.vector_load %arg5[%swap3A_732, %swap3A_733] {strides = array<i32>} : memref<64x1000xf32, #tpu.memory_space<vmem>>, vector<16xf32>,
      tpu.vector_store %arg5[%swap3A_732, %swap3A_733], %broadcast_in_dim3A_4 {strides = array<i32>} : memref<64x1000xf32, #tpu.memory_space<vmem>>, vector<16xf32>,
      %swap3A_735 = arith.index_cast %add3A_672 : i32 to index
      %swap3A_736 = arith.constant 336 : index
      %swap3A_737 = tpu.vector_load %arg5[%swap3A_735, %swap3A_736] {strides = array<i32>} : memref<64x1000xf32, #tpu.memory_space<vmem>>, vector<16xf32>,
      tpu.vector_store %arg5[%swap3A_735, %swap3A_736], %broadcast_in_dim3A_4 {strides = array<i32>} : memref<64x1000xf32, #tpu.memory_space<vmem>>, vector<16xf32>,
      %swap3A_738 = arith.index_cast %add3A_672 : i32 to index
      %swap3A_739 = arith.constant 352 : index
      %swap3A_740 = tpu.vector_load %arg5[%swap3A_738, %swap3A_739] {strides = array<i32>} : memref<64x1000xf32, #tpu.memory_space<vmem>>, vector<16xf32>,
      tpu.vector_store %arg5[%swap3A_738, %swap3A_739], %broadcast_in_dim3A_4 {strides = array<i32>} : memref<64x1000xf32, #tpu.memory_space<vmem>>, vector<16xf32>,
      %swap3A_741 = arith.index_cast %add3A_672 : i32 to index
      %swap3A_742 = arith.constant 368 : index
      %swap3A_743 = tpu.vector_load %arg5[%swap3A_741, %swap3A_742] {strides = array<i32>} : memref<64x1000xf32, #tpu.memory_space<vmem>>, vector<16xf32>,
      tpu.vector_store %arg5[%swap3A_741, %swap3A_742], %broadcast_in_dim3A_4 {strides = array<i32>} : memref<64x1000xf32, #tpu.memory_space<vmem>>, vector<16xf32>,
      %swap3A_744 = arith.index_cast %add3A_672 : i32 to index
      %swap3A_745 = arith.constant 384 : index
      %swap3A_746 = tpu.vector_load %arg5[%swap3A_744, %swap3A_745] {strides = array<i32>} : memref<64x1000xf32, #tpu.memory_space<vmem>>, vector<16xf32>,
      tpu.vector_store %arg5[%swap3A_744, %swap3A_745], %broadcast_in_dim3A_4 {strides = array<i32>} : memref<64x1000xf32, #tpu.memory_space<vmem>>, vector<16xf32>,
      %swap3A_747 = arith.index_cast %add3A_672 : i32 to index
      %swap3A_748 = arith.constant 400 : index
      %swap3A_749 = tpu.vector_load %arg5[%swap3A_747, %swap3A_748] {strides = array<i32>} : memref<64x1000xf32, #tpu.memory_space<vmem>>, vector<16xf32>,
      tpu.vector_store %arg5[%swap3A_747, %swap3A_748], %broadcast_in_dim3A_4 {strides = array<i32>} : memref<64x1000xf32, #tpu.memory_space<vmem>>, vector<16xf32>,
      %swap3A_750 = arith.index_cast %add3A_672 : i32 to index
      %swap3A_751 = arith.constant 416 : index
      %swap3A_752 = tpu.vector_load %arg5[%swap3A_750, %swap3A_751] {strides = array<i32>} : memref<64x1000xf32, #tpu.memory_space<vmem>>, vector<16xf32>,
      tpu.vector_store %arg5[%swap3A_750, %swap3A_751], %broadcast_in_dim3A_4 {strides = array<i32>} : memref<64x1000xf32, #tpu.memory_space<vmem>>, vector<16xf32>,
      %swap3A_753 = arith.index_cast %add3A_672 : i32 to index
      %swap3A_754 = arith.constant 432 : index
      %swap3A_755 = tpu.vector_load %arg5[%swap3A_753, %swap3A_754] {strides = array<i32>} : memref<64x1000xf32, #tpu.memory_space<vmem>>, vector<16xf32>,
      tpu.vector_store %arg5[%swap3A_753, %swap3A_754], %broadcast_in_dim3A_4 {strides = array<i32>} : memref<64x1000xf32, #tpu.memory_space<vmem>>, vector<16xf32>,
      %swap3A_756 = arith.index_cast %add3A_672 : i32 to index
      %swap3A_757 = arith.constant 448 : index
      %swap3A_758 = tpu.vector_load %arg5[%swap3A_756, %swap3A_757] {strides = array<i32>} : memref<64x1000xf32, #tpu.memory_space<vmem>>, vector<16xf32>,
      tpu.vector_store %arg5[%swap3A_756, %swap3A_757], %broadcast_in_dim3A_4 {strides = array<i32>} : memref<64x1000xf32, #tpu.memory_space<vmem>>, vector<16xf32>,
      %swap3A_759 = arith.index_cast %add3A_672 : i32 to index
      %swap3A_760 = arith.constant 464 : index
      %swap3A_761 = tpu.vector_load %arg5[%swap3A_759, %swap3A_760] {strides = array<i32>} : memref<64x1000xf32, #tpu.memory_space<vmem>>, vector<16xf32>,
      tpu.vector_store %arg5[%swap3A_759, %swap3A_760], %broadcast_in_dim3A_4 {strides = array<i32>} : memref<64x1000xf32, #tpu.memory_space<vmem>>, vector<16xf32>,
      %swap3A_762 = arith.index_cast %add3A_672 : i32 to index
      %swap3A_763 = arith.constant 480 : index
      %swap3A_764 = tpu.vector_load %arg5[%swap3A_762, %swap3A_763] {strides = array<i32>} : memref<64x1000xf32, #tpu.memory_space<vmem>>, vector<16xf32>,
      tpu.vector_store %arg5[%swap3A_762, %swap3A_763], %broadcast_in_dim3A_4 {strides = array<i32>} : memref<64x1000xf32, #tpu.memory_space<vmem>>, vector<16xf32>,
      %swap3A_765 = arith.index_cast %add3A_672 : i32 to index
      %swap3A_766 = arith.constant 496 : index
      %swap3A_767 = tpu.vector_load %arg5[%swap3A_765, %swap3A_766] {strides = array<i32>} : memref<64x1000xf32, #tpu.memory_space<vmem>>, vector<16xf32>,
      tpu.vector_store %arg5[%swap3A_765, %swap3A_766], %broadcast_in_dim3A_4 {strides = array<i32>} : memref<64x1000xf32, #tpu.memory_space<vmem>>, vector<16xf32>,
      %swap3A_768 = arith.index_cast %add3A_672 : i32 to index
      %swap3A_769 = arith.constant 512 : index
      %swap3A_770 = tpu.vector_load %arg5[%swap3A_768, %swap3A_769] {strides = array<i32>} : memref<64x1000xf32, #tpu.memory_space<vmem>>, vector<16xf32>,
      tpu.vector_store %arg5[%swap3A_768, %swap3A_769], %broadcast_in_dim3A_4 {strides = array<i32>} : memref<64x1000xf32, #tpu.memory_space<vmem>>, vector<16xf32>,
      %swap3A_771 = arith.index_cast %add3A_672 : i32 to index
      %swap3A_772 = arith.constant 528 : index
      %swap3A_773 = tpu.vector_load %arg5[%swap3A_771, %swap3A_772] {strides = array<i32>} : memref<64x1000xf32, #tpu.memory_space<vmem>>, vector<16xf32>,
      tpu.vector_store %arg5[%swap3A_771, %swap3A_772], %broadcast_in_dim3A_4 {strides = array<i32>} : memref<64x1000xf32, #tpu.memory_space<vmem>>, vector<16xf32>,
      %swap3A_774 = arith.index_cast %add3A_672 : i32 to index
      %swap3A_775 = arith.constant 544 : index
      %swap3A_776 = tpu.vector_load %arg5[%swap3A_774, %swap3A_775] {strides = array<i32>} : memref<64x1000xf32, #tpu.memory_space<vmem>>, vector<16xf32>,
      tpu.vector_store %arg5[%swap3A_774, %swap3A_775], %broadcast_in_dim3A_4 {strides = array<i32>} : memref<64x1000xf32, #tpu.memory_space<vmem>>, vector<16xf32>,
      %swap3A_777 = arith.index_cast %add3A_672 : i32 to index
      %swap3A_778 = arith.constant 560 : index
      %swap3A_779 = tpu.vector_load %arg5[%swap3A_777, %swap3A_778] {strides = array<i32>} : memref<64x1000xf32, #tpu.memory_space<vmem>>, vector<16xf32>,
      tpu.vector_store %arg5[%swap3A_777, %swap3A_778], %broadcast_in_dim3A_4 {strides = array<i32>} : memref<64x1000xf32, #tpu.memory_space<vmem>>, vector<16xf32>,
      %swap3A_780 = arith.index_cast %add3A_672 : i32 to index
      %swap3A_781 = arith.constant 576 : index
      %swap3A_782 = tpu.vector_load %arg5[%swap3A_780, %swap3A_781] {strides = array<i32>} : memref<64x1000xf32, #tpu.memory_space<vmem>>, vector<16xf32>,
      tpu.vector_store %arg5[%swap3A_780, %swap3A_781], %broadcast_in_dim3A_4 {strides = array<i32>} : memref<64x1000xf32, #tpu.memory_space<vmem>>, vector<16xf32>,
      %swap3A_783 = arith.index_cast %add3A_672 : i32 to index
      %swap3A_784 = arith.constant 592 : index
      %swap3A_785 = tpu.vector_load %arg5[%swap3A_783, %swap3A_784] {strides = array<i32>} : memref<64x1000xf32, #tpu.memory_space<vmem>>, vector<16xf32>,
      tpu.vector_store %arg5[%swap3A_783, %swap3A_784], %broadcast_in_dim3A_4 {strides = array<i32>} : memref<64x1000xf32, #tpu.memory_space<vmem>>, vector<16xf32>,
      %swap3A_786 = arith.index_cast %add3A_672 : i32 to index
      %swap3A_787 = arith.constant 608 : index
      %swap3A_788 = tpu.vector_load %arg5[%swap3A_786, %swap3A_787] {strides = array<i32>} : memref<64x1000xf32, #tpu.memory_space<vmem>>, vector<16xf32>,
      tpu.vector_store %arg5[%swap3A_786, %swap3A_787], %broadcast_in_dim3A_4 {strides = array<i32>} : memref<64x1000xf32, #tpu.memory_space<vmem>>, vector<16xf32>,
      %swap3A_789 = arith.index_cast %add3A_672 : i32 to index
      %swap3A_790 = arith.constant 624 : index
      %swap3A_791 = tpu.vector_load %arg5[%swap3A_789, %swap3A_790] {strides = array<i32>} : memref<64x1000xf32, #tpu.memory_space<vmem>>, vector<16xf32>,
      tpu.vector_store %arg5[%swap3A_789, %swap3A_790], %broadcast_in_dim3A_4 {strides = array<i32>} : memref<64x1000xf32, #tpu.memory_space<vmem>>, vector<16xf32>,
      %swap3A_792 = arith.index_cast %add3A_672 : i32 to index
      %swap3A_793 = arith.constant 640 : index
      %swap3A_794 = tpu.vector_load %arg5[%swap3A_792, %swap3A_793] {strides = array<i32>} : memref<64x1000xf32, #tpu.memory_space<vmem>>, vector<16xf32>,
      tpu.vector_store %arg5[%swap3A_792, %swap3A_793], %broadcast_in_dim3A_4 {strides = array<i32>} : memref<64x1000xf32, #tpu.memory_space<vmem>>, vector<16xf32>,
      %swap3A_795 = arith.index_cast %add3A_672 : i32 to index
      %swap3A_796 = arith.constant 656 : index
      %swap3A_797 = tpu.vector_load %arg5[%swap3A_795, %swap3A_796] {strides = array<i32>} : memref<64x1000xf32, #tpu.memory_space<vmem>>, vector<16xf32>,
      tpu.vector_store %arg5[%swap3A_795, %swap3A_796], %broadcast_in_dim3A_4 {strides = array<i32>} : memref<64x1000xf32, #tpu.memory_space<vmem>>, vector<16xf32>,
      %swap3A_798 = arith.index_cast %add3A_672 : i32 to index
      %swap3A_799 = arith.constant 672 : index
      %swap3A_800 = tpu.vector_load %arg5[%swap3A_798, %swap3A_799] {strides = array<i32>} : memref<64x1000xf32, #tpu.memory_space<vmem>>, vector<16xf32>,
      tpu.vector_store %arg5[%swap3A_798, %swap3A_799], %broadcast_in_dim3A_4 {strides = array<i32>} : memref<64x1000xf32, #tpu.memory_space<vmem>>, vector<16xf32>,
      %swap3A_801 = arith.index_cast %add3A_672 : i32 to index
      %swap3A_802 = arith.constant 688 : index
      %swap3A_803 = tpu.vector_load %arg5[%swap3A_801, %swap3A_802] {strides = array<i32>} : memref<64x1000xf32, #tpu.memory_space<vmem>>, vector<16xf32>,
      tpu.vector_store %arg5[%swap3A_801, %swap3A_802], %broadcast_in_dim3A_4 {strides = array<i32>} : memref<64x1000xf32, #tpu.memory_space<vmem>>, vector<16xf32>,
      %swap3A_804 = arith.index_cast %add3A_672 : i32 to index
      %swap3A_805 = arith.constant 704 : index
      %swap3A_806 = tpu.vector_load %arg5[%swap3A_804, %swap3A_805] {strides = array<i32>} : memref<64x1000xf32, #tpu.memory_space<vmem>>, vector<16xf32>,
      tpu.vector_store %arg5[%swap3A_804, %swap3A_805], %broadcast_in_dim3A_4 {strides = array<i32>} : memref<64x1000xf32, #tpu.memory_space<vmem>>, vector<16xf32>,
      %swap3A_807 = arith.index_cast %add3A_672 : i32 to index
      %swap3A_808 = arith.constant 720 : index
      %swap3A_809 = tpu.vector_load %arg5[%swap3A_807, %swap3A_808] {strides = array<i32>} : memref<64x1000xf32, #tpu.memory_space<vmem>>, vector<16xf32>,
      tpu.vector_store %arg5[%swap3A_807, %swap3A_808], %broadcast_in_dim3A_4 {strides = array<i32>} : memref<64x1000xf32, #tpu.memory_space<vmem>>, vector<16xf32>,
      %swap3A_810 = arith.index_cast %add3A_672 : i32 to index
      %swap3A_811 = arith.constant 736 : index
      %swap3A_812 = tpu.vector_load %arg5[%swap3A_810, %swap3A_811] {strides = array<i32>} : memref<64x1000xf32, #tpu.memory_space<vmem>>, vector<16xf32>,
      tpu.vector_store %arg5[%swap3A_810, %swap3A_811], %broadcast_in_dim3A_4 {strides = array<i32>} : memref<64x1000xf32, #tpu.memory_space<vmem>>, vector<16xf32>,
      %swap3A_813 = arith.index_cast %add3A_672 : i32 to index
      %swap3A_814 = arith.constant 752 : index
      %swap3A_815 = tpu.vector_load %arg5[%swap3A_813, %swap3A_814] {strides = array<i32>} : memref<64x1000xf32, #tpu.memory_space<vmem>>, vector<16xf32>,
      tpu.vector_store %arg5[%swap3A_813, %swap3A_814], %broadcast_in_dim3A_4 {strides = array<i32>} : memref<64x1000xf32, #tpu.memory_space<vmem>>, vector<16xf32>,
      %swap3A_816 = arith.index_cast %add3A_672 : i32 to index
      %swap3A_817 = arith.constant 768 : index
      %swap3A_818 = tpu.vector_load %arg5[%swap3A_816, %swap3A_817] {strides = array<i32>} : memref<64x1000xf32, #tpu.memory_space<vmem>>, vector<16xf32>,
      tpu.vector_store %arg5[%swap3A_816, %swap3A_817], %broadcast_in_dim3A_4 {strides = array<i32>} : memref<64x1000xf32, #tpu.memory_space<vmem>>, vector<16xf32>,
      %swap3A_819 = arith.index_cast %add3A_672 : i32 to index
      %swap3A_820 = arith.constant 784 : index
      %swap3A_821 = tpu.vector_load %arg5[%swap3A_819, %swap3A_820] {strides = array<i32>} : memref<64x1000xf32, #tpu.memory_space<vmem>>, vector<16xf32>,
      tpu.vector_store %arg5[%swap3A_819, %swap3A_820], %broadcast_in_dim3A_4 {strides = array<i32>} : memref<64x1000xf32, #tpu.memory_space<vmem>>, vector<16xf32>,
      %swap3A_822 = arith.index_cast %add3A_672 : i32 to index
      %swap3A_823 = arith.constant 800 : index
      %swap3A_824 = tpu.vector_load %arg5[%swap3A_822, %swap3A_823] {strides = array<i32>} : memref<64x1000xf32, #tpu.memory_space<vmem>>, vector<16xf32>,
      tpu.vector_store %arg5[%swap3A_822, %swap3A_823], %broadcast_in_dim3A_4 {strides = array<i32>} : memref<64x1000xf32, #tpu.memory_space<vmem>>, vector<16xf32>,
      %swap3A_825 = arith.index_cast %add3A_672 : i32 to index
      %swap3A_826 = arith.constant 816 : index
      %swap3A_827 = tpu.vector_load %arg5[%swap3A_825, %swap3A_826] {strides = array<i32>} : memref<64x1000xf32, #tpu.memory_space<vmem>>, vector<16xf32>,
      tpu.vector_store %arg5[%swap3A_825, %swap3A_826], %broadcast_in_dim3A_4 {strides = array<i32>} : memref<64x1000xf32, #tpu.memory_space<vmem>>, vector<16xf32>,
      %swap3A_828 = arith.index_cast %add3A_672 : i32 to index
      %swap3A_829 = arith.constant 832 : index
      %swap3A_830 = tpu.vector_load %arg5[%swap3A_828, %swap3A_829] {strides = array<i32>} : memref<64x1000xf32, #tpu.memory_space<vmem>>, vector<16xf32>,
      tpu.vector_store %arg5[%swap3A_828, %swap3A_829], %broadcast_in_dim3A_4 {strides = array<i32>} : memref<64x1000xf32, #tpu.memory_space<vmem>>, vector<16xf32>,
      %swap3A_831 = arith.index_cast %add3A_672 : i32 to index
      %swap3A_832 = arith.constant 848 : index
      %swap3A_833 = tpu.vector_load %arg5[%swap3A_831, %swap3A_832] {strides = array<i32>} : memref<64x1000xf32, #tpu.memory_space<vmem>>, vector<16xf32>,
      tpu.vector_store %arg5[%swap3A_831, %swap3A_832], %broadcast_in_dim3A_4 {strides = array<i32>} : memref<64x1000xf32, #tpu.memory_space<vmem>>, vector<16xf32>,
      %swap3A_834 = arith.index_cast %add3A_672 : i32 to index
      %swap3A_835 = arith.constant 864 : index
      %swap3A_836 = tpu.vector_load %arg5[%swap3A_834, %swap3A_835] {strides = array<i32>} : memref<64x1000xf32, #tpu.memory_space<vmem>>, vector<16xf32>,
      tpu.vector_store %arg5[%swap3A_834, %swap3A_835], %broadcast_in_dim3A_4 {strides = array<i32>} : memref<64x1000xf32, #tpu.memory_space<vmem>>, vector<16xf32>,
      %swap3A_837 = arith.index_cast %add3A_672 : i32 to index
      %swap3A_838 = arith.constant 880 : index
      %swap3A_839 = tpu.vector_load %arg5[%swap3A_837, %swap3A_838] {strides = array<i32>} : memref<64x1000xf32, #tpu.memory_space<vmem>>, vector<16xf32>,
      tpu.vector_store %arg5[%swap3A_837, %swap3A_838], %broadcast_in_dim3A_4 {strides = array<i32>} : memref<64x1000xf32, #tpu.memory_space<vmem>>, vector<16xf32>,
      %swap3A_840 = arith.index_cast %add3A_672 : i32 to index
      %swap3A_841 = arith.constant 896 : index
      %swap3A_842 = tpu.vector_load %arg5[%swap3A_840, %swap3A_841] {strides = array<i32>} : memref<64x1000xf32, #tpu.memory_space<vmem>>, vector<16xf32>,
      tpu.vector_store %arg5[%swap3A_840, %swap3A_841], %broadcast_in_dim3A_4 {strides = array<i32>} : memref<64x1000xf32, #tpu.memory_space<vmem>>, vector<16xf32>,
      %swap3A_843 = arith.index_cast %add3A_672 : i32 to index
      %swap3A_844 = arith.constant 912 : index
      %swap3A_845 = tpu.vector_load %arg5[%swap3A_843, %swap3A_844] {strides = array<i32>} : memref<64x1000xf32, #tpu.memory_space<vmem>>, vector<16xf32>,
      tpu.vector_store %arg5[%swap3A_843, %swap3A_844], %broadcast_in_dim3A_4 {strides = array<i32>} : memref<64x1000xf32, #tpu.memory_space<vmem>>, vector<16xf32>,
      %swap3A_846 = arith.index_cast %add3A_672 : i32 to index
      %swap3A_847 = arith.constant 928 : index
      %swap3A_848 = tpu.vector_load %arg5[%swap3A_846, %swap3A_847] {strides = array<i32>} : memref<64x1000xf32, #tpu.memory_space<vmem>>, vector<16xf32>,
      tpu.vector_store %arg5[%swap3A_846, %swap3A_847], %broadcast_in_dim3A_4 {strides = array<i32>} : memref<64x1000xf32, #tpu.memory_space<vmem>>, vector<16xf32>,
      %swap3A_849 = arith.index_cast %add3A_672 : i32 to index
      %swap3A_850 = arith.constant 944 : index
      %swap3A_851 = tpu.vector_load %arg5[%swap3A_849, %swap3A_850] {strides = array<i32>} : memref<64x1000xf32, #tpu.memory_space<vmem>>, vector<16xf32>,
      tpu.vector_store %arg5[%swap3A_849, %swap3A_850], %broadcast_in_dim3A_4 {strides = array<i32>} : memref<64x1000xf32, #tpu.memory_space<vmem>>, vector<16xf32>,
      %swap3A_852 = arith.index_cast %add3A_672 : i32 to index
      %swap3A_853 = arith.constant 960 : index
      %swap3A_854 = tpu.vector_load %arg5[%swap3A_852, %swap3A_853] {strides = array<i32>} : memref<64x1000xf32, #tpu.memory_space<vmem>>, vector<16xf32>,
      tpu.vector_store %arg5[%swap3A_852, %swap3A_853], %broadcast_in_dim3A_4 {strides = array<i32>} : memref<64x1000xf32, #tpu.memory_space<vmem>>, vector<16xf32>,
      %swap3A_855 = arith.index_cast %add3A_672 : i32 to index
      %swap3A_856 = arith.constant 976 : index
      %swap3A_857 = tpu.vector_load %arg5[%swap3A_855, %swap3A_856] {strides = array<i32>} : memref<64x1000xf32, #tpu.memory_space<vmem>>, vector<16xf32>,
      tpu.vector_store %arg5[%swap3A_855, %swap3A_856], %broadcast_in_dim3A_4 {strides = array<i32>} : memref<64x1000xf32, #tpu.memory_space<vmem>>, vector<16xf32>,
      %swap3A_858 = arith.index_cast %add3A_672 : i32 to index
      %swap3A_859 = arith.constant 984 : index
      %swap3A_860 = tpu.vector_load %arg5[%swap3A_858, %swap3A_859] {strides = array<i32>} : memref<64x1000xf32, #tpu.memory_space<vmem>>, vector<16xf32>,
      tpu.vector_store %arg5[%swap3A_858, %swap3A_859], %broadcast_in_dim3A_4 {strides = array<i32>} : memref<64x1000xf32, #tpu.memory_space<vmem>>, vector<16xf32>,
    }
    %scan3A_10 = arith.constant 32 : i32
    %dma_wait3A = tpu.memref_slice %arg2[%mul3A_2] : memref<16384xi32, #tpu.memory_space<hbm>> -> memref<512xi32, #tpu.memory_space<hbm>>
    %dma_wait3A_11 = tpu.memref_slice %arg2[%mul3A_2] : memref<16384xi32, #tpu.memory_space<hbm>> -> memref<512xi32, #tpu.memory_space<hbm>>
    tpu.wait_dma2 semaphore(%arg8 : memref<!tpu.dma_semaphore, #tpu.memory_space<semaphore_mem>>) src(%dma_wait3A_11 : memref<512xi32, #tpu.memory_space<hbm>>) dst(%arg4 : memref<512xi32, #tpu.memory_space<vmem>>)
    %add3A_12 = arith.constant 0 : i32
    %add3A_13 = vector.broadcast %add3A_12 : i32 to vector<16xi32>
    %add3A_14 = arith.addi %add3A_13, %iota3A : vector<16xi32>
    %get3A = arith.constant 0 : index
    %get3A_15 = tpu.vector_load %arg4[%get3A] {strides = array<i32>} : memref<512xi32, #tpu.memory_space<vmem>>, vector<16xi32>,
    tpu.vector_store_idx %arg5[%add3A_14, %get3A_15], %broadcast_in_dim3A_6 : memref<64x1000xf32, #tpu.memory_space<vmem>>[vector<16xi32>, vector<16xi32>], vector<16xf32>,
    %add3A_16 = arith.constant 16 : i32
    %add3A_17 = vector.broadcast %add3A_16 : i32 to vector<16xi32>
    %add3A_18 = arith.addi %add3A_17, %iota3A : vector<16xi32>
    %get3A_19 = arith.constant 16 : index
    %get3A_20 = tpu.vector_load %arg4[%get3A_19] {strides = array<i32>} : memref<512xi32, #tpu.memory_space<vmem>>, vector<16xi32>,
    tpu.vector_store_idx %arg5[%add3A_18, %get3A_20], %broadcast_in_dim3A_6 : memref<64x1000xf32, #tpu.memory_space<vmem>>[vector<16xi32>, vector<16xi32>], vector<16xf32>,
    %add3A_21 = arith.constant 0 : i32
    %add3A_22 = arith.addi %mul3A_2, %add3A_21 : i32
    %dma_start3A_23 = arith.constant 0 : i32
    %dma_start3A_24 = arith.constant 0 : i32
    %dma_start3A_25 = tpu.memref_slice %arg5[%dma_start3A_23, %dma_start3A_24] : memref<64x1000xf32, #tpu.memory_space<vmem>> -> memref<32x1000xf32, #tpu.memory_space<vmem>>
    %dma_start3A_26 = arith.constant 0 : i32
    %dma_start3A_27 = tpu.memref_slice %arg3[%add3A_22, %dma_start3A_26] : memref<16384x1000xf32, #tpu.memory_space<hbm>> -> memref<32x1000xf32, #tpu.memory_space<hbm>>
    %dma_start3A_28 = arith.constant 0 : i32
    %dma_start3A_29 = tpu.memref_slice %arg3[%add3A_22, %dma_start3A_28] : memref<16384x1000xf32, #tpu.memory_space<hbm>> -> memref<32x1000xf32, #tpu.memory_space<hbm>>
    %dma_start3A_30 = arith.constant 0 : i32
    %dma_start3A_31 = arith.constant 0 : i32
    %dma_start3A_32 = tpu.memref_slice %arg5[%dma_start3A_30, %dma_start3A_31] : memref<64x1000xf32, #tpu.memory_space<vmem>> -> memref<32x1000xf32, #tpu.memory_space<vmem>>
    tpu.enqueue_dma source(%dma_start3A_32 : memref<32x1000xf32, #tpu.memory_space<vmem>>) target(%dma_start3A_29 : memref<32x1000xf32, #tpu.memory_space<hbm>>) target_semaphore(%arg6 : memref<!tpu.dma_semaphore, #tpu.memory_space<semaphore_mem>>)
    %scan3A_33 = arith.constant 0 : i32
    %scan3A_34 = arith.constant 32 : i32
    %scan3A_35 = arith.addi %scan3A_33, %scan3A_34 : i32
    %scan3A_36 = arith.constant 1 : i32
    scf.for %scan3A_668 = %scan3A_33 to %scan3A_35 step %scan3A_36  : i32 {
      %mul3A_669 = arith.constant 1 : i32
      %mul3A_670 = arith.muli %scan3A_668, %mul3A_669 : i32
      %add3A_671 = arith.constant 32 : i32
      %add3A_672 = arith.addi %add3A_671, %mul3A_670 : i32
      %swap3A = arith.index_cast %add3A_672 : i32 to index
      %swap3A_673 = arith.constant 0 : index
      %swap3A_674 = tpu.vector_load %arg5[%swap3A, %swap3A_673] {strides = array<i32>} : memref<64x1000xf32, #tpu.memory_space<vmem>>, vector<16xf32>,
      tpu.vector_store %arg5[%swap3A, %swap3A_673], %broadcast_in_dim3A_4 {strides = array<i32>} : memref<64x1000xf32, #tpu.memory_space<vmem>>, vector<16xf32>,
      %swap3A_675 = arith.index_cast %add3A_672 : i32 to index
      %swap3A_676 = arith.constant 16 : index
      %swap3A_677 = tpu.vector_load %arg5[%swap3A_675, %swap3A_676] {strides = array<i32>} : memref<64x1000xf32, #tpu.memory_space<vmem>>, vector<16xf32>,
      tpu.vector_store %arg5[%swap3A_675, %swap3A_676], %broadcast_in_dim3A_4 {strides = array<i32>} : memref<64x1000xf32, #tpu.memory_space<vmem>>, vector<16xf32>,
      %swap3A_678 = arith.index_cast %add3A_672 : i32 to index
      %swap3A_679 = arith.constant 32 : index
      %swap3A_680 = tpu.vector_load %arg5[%swap3A_678, %swap3A_679] {strides = array<i32>} : memref<64x1000xf32, #tpu.memory_space<vmem>>, vector<16xf32>,
      tpu.vector_store %arg5[%swap3A_678, %swap3A_679], %broadcast_in_dim3A_4 {strides = array<i32>} : memref<64x1000xf32, #tpu.memory_space<vmem>>, vector<16xf32>,
      %swap3A_681 = arith.index_cast %add3A_672 : i32 to index
      %swap3A_682 = arith.constant 48 : index
      %swap3A_683 = tpu.vector_load %arg5[%swap3A_681, %swap3A_682] {strides = array<i32>} : memref<64x1000xf32, #tpu.memory_space<vmem>>, vector<16xf32>,
      tpu.vector_store %arg5[%swap3A_681, %swap3A_682], %broadcast_in_dim3A_4 {strides = array<i32>} : memref<64x1000xf32, #tpu.memory_space<vmem>>, vector<16xf32>,
      %swap3A_684 = arith.index_cast %add3A_672 : i32 to index
      %swap3A_685 = arith.constant 64 : index
      %swap3A_686 = tpu.vector_load %arg5[%swap3A_684, %swap3A_685] {strides = array<i32>} : memref<64x1000xf32, #tpu.memory_space<vmem>>, vector<16xf32>,
      tpu.vector_store %arg5[%swap3A_684, %swap3A_685], %broadcast_in_dim3A_4 {strides = array<i32>} : memref<64x1000xf32, #tpu.memory_space<vmem>>, vector<16xf32>,
      %swap3A_687 = arith.index_cast %add3A_672 : i32 to index
      %swap3A_688 = arith.constant 80 : index
      %swap3A_689 = tpu.vector_load %arg5[%swap3A_687, %swap3A_688] {strides = array<i32>} : memref<64x1000xf32, #tpu.memory_space<vmem>>, vector<16xf32>,
      tpu.vector_store %arg5[%swap3A_687, %swap3A_688], %broadcast_in_dim3A_4 {strides = array<i32>} : memref<64x1000xf32, #tpu.memory_space<vmem>>, vector<16xf32>,
      %swap3A_690 = arith.index_cast %add3A_672 : i32 to index
      %swap3A_691 = arith.constant 96 : index
      %swap3A_692 = tpu.vector_load %arg5[%swap3A_690, %swap3A_691] {strides = array<i32>} : memref<64x1000xf32, #tpu.memory_space<vmem>>, vector<16xf32>,
      tpu.vector_store %arg5[%swap3A_690, %swap3A_691], %broadcast_in_dim3A_4 {strides = array<i32>} : memref<64x1000xf32, #tpu.memory_space<vmem>>, vector<16xf32>,
      %swap3A_693 = arith.index_cast %add3A_672 : i32 to index
      %swap3A_694 = arith.constant 112 : index
      %swap3A_695 = tpu.vector_load %arg5[%swap3A_693, %swap3A_694] {strides = array<i32>} : memref<64x1000xf32, #tpu.memory_space<vmem>>, vector<16xf32>,
      tpu.vector_store %arg5[%swap3A_693, %swap3A_694], %broadcast_in_dim3A_4 {strides = array<i32>} : memref<64x1000xf32, #tpu.memory_space<vmem>>, vector<16xf32>,
      %swap3A_696 = arith.index_cast %add3A_672 : i32 to index
      %swap3A_697 = arith.constant 128 : index
      %swap3A_698 = tpu.vector_load %arg5[%swap3A_696, %swap3A_697] {strides = array<i32>} : memref<64x1000xf32, #tpu.memory_space<vmem>>, vector<16xf32>,
      tpu.vector_store %arg5[%swap3A_696, %swap3A_697], %broadcast_in_dim3A_4 {strides = array<i32>} : memref<64x1000xf32, #tpu.memory_space<vmem>>, vector<16xf32>,
      %swap3A_699 = arith.index_cast %add3A_672 : i32 to index
      %swap3A_700 = arith.constant 144 : index
      %swap3A_701 = tpu.vector_load %arg5[%swap3A_699, %swap3A_700] {strides = array<i32>} : memref<64x1000xf32, #tpu.memory_space<vmem>>, vector<16xf32>,
      tpu.vector_store %arg5[%swap3A_699, %swap3A_700], %broadcast_in_dim3A_4 {strides = array<i32>} : memref<64x1000xf32, #tpu.memory_space<vmem>>, vector<16xf32>,
      %swap3A_702 = arith.index_cast %add3A_672 : i32 to index
      %swap3A_703 = arith.constant 160 : index
      %swap3A_704 = tpu.vector_load %arg5[%swap3A_702, %swap3A_703] {strides = array<i32>} : memref<64x1000xf32, #tpu.memory_space<vmem>>, vector<16xf32>,
      tpu.vector_store %arg5[%swap3A_702, %swap3A_703], %broadcast_in_dim3A_4 {strides = array<i32>} : memref<64x1000xf32, #tpu.memory_space<vmem>>, vector<16xf32>,
      %swap3A_705 = arith.index_cast %add3A_672 : i32 to index
      %swap3A_706 = arith.constant 176 : index
      %swap3A_707 = tpu.vector_load %arg5[%swap3A_705, %swap3A_706] {strides = array<i32>} : memref<64x1000xf32, #tpu.memory_space<vmem>>, vector<16xf32>,
      tpu.vector_store %arg5[%swap3A_705, %swap3A_706], %broadcast_in_dim3A_4 {strides = array<i32>} : memref<64x1000xf32, #tpu.memory_space<vmem>>, vector<16xf32>,
      %swap3A_708 = arith.index_cast %add3A_672 : i32 to index
      %swap3A_709 = arith.constant 192 : index
      %swap3A_710 = tpu.vector_load %arg5[%swap3A_708, %swap3A_709] {strides = array<i32>} : memref<64x1000xf32, #tpu.memory_space<vmem>>, vector<16xf32>,
      tpu.vector_store %arg5[%swap3A_708, %swap3A_709], %broadcast_in_dim3A_4 {strides = array<i32>} : memref<64x1000xf32, #tpu.memory_space<vmem>>, vector<16xf32>,
      %swap3A_711 = arith.index_cast %add3A_672 : i32 to index
      %swap3A_712 = arith.constant 208 : index
      %swap3A_713 = tpu.vector_load %arg5[%swap3A_711, %swap3A_712] {strides = array<i32>} : memref<64x1000xf32, #tpu.memory_space<vmem>>, vector<16xf32>,
      tpu.vector_store %arg5[%swap3A_711, %swap3A_712], %broadcast_in_dim3A_4 {strides = array<i32>} : memref<64x1000xf32, #tpu.memory_space<vmem>>, vector<16xf32>,
      %swap3A_714 = arith.index_cast %add3A_672 : i32 to index
      %swap3A_715 = arith.constant 224 : index
      %swap3A_716 = tpu.vector_load %arg5[%swap3A_714, %swap3A_715] {strides = array<i32>} : memref<64x1000xf32, #tpu.memory_space<vmem>>, vector<16xf32>,
      tpu.vector_store %arg5[%swap3A_714, %swap3A_715], %broadcast_in_dim3A_4 {strides = array<i32>} : memref<64x1000xf32, #tpu.memory_space<vmem>>, vector<16xf32>,
      %swap3A_717 = arith.index_cast %add3A_672 : i32 to index
      %swap3A_718 = arith.constant 240 : index
      %swap3A_719 = tpu.vector_load %arg5[%swap3A_717, %swap3A_718] {strides = array<i32>} : memref<64x1000xf32, #tpu.memory_space<vmem>>, vector<16xf32>,
      tpu.vector_store %arg5[%swap3A_717, %swap3A_718], %broadcast_in_dim3A_4 {strides = array<i32>} : memref<64x1000xf32, #tpu.memory_space<vmem>>, vector<16xf32>,
      %swap3A_720 = arith.index_cast %add3A_672 : i32 to index
      %swap3A_721 = arith.constant 256 : index
      %swap3A_722 = tpu.vector_load %arg5[%swap3A_720, %swap3A_721] {strides = array<i32>} : memref<64x1000xf32, #tpu.memory_space<vmem>>, vector<16xf32>,
      tpu.vector_store %arg5[%swap3A_720, %swap3A_721], %broadcast_in_dim3A_4 {strides = array<i32>} : memref<64x1000xf32, #tpu.memory_space<vmem>>, vector<16xf32>,
      %swap3A_723 = arith.index_cast %add3A_672 : i32 to index
      %swap3A_724 = arith.constant 272 : index
      %swap3A_725 = tpu.vector_load %arg5[%swap3A_723, %swap3A_724] {strides = array<i32>} : memref<64x1000xf32, #tpu.memory_space<vmem>>, vector<16xf32>,
      tpu.vector_store %arg5[%swap3A_723, %swap3A_724], %broadcast_in_dim3A_4 {strides = array<i32>} : memref<64x1000xf32, #tpu.memory_space<vmem>>, vector<16xf32>,
      %swap3A_726 = arith.index_cast %add3A_672 : i32 to index
      %swap3A_727 = arith.constant 288 : index
      %swap3A_728 = tpu.vector_load %arg5[%swap3A_726, %swap3A_727] {strides = array<i32>} : memref<64x1000xf32, #tpu.memory_space<vmem>>, vector<16xf32>,
      tpu.vector_store %arg5[%swap3A_726, %swap3A_727], %broadcast_in_dim3A_4 {strides = array<i32>} : memref<64x1000xf32, #tpu.memory_space<vmem>>, vector<16xf32>,
      %swap3A_729 = arith.index_cast %add3A_672 : i32 to index
      %swap3A_730 = arith.constant 304 : index
      %swap3A_731 = tpu.vector_load %arg5[%swap3A_729, %swap3A_730] {strides = array<i32>} : memref<64x1000xf32, #tpu.memory_space<vmem>>, vector<16xf32>,
      tpu.vector_store %arg5[%swap3A_729, %swap3A_730], %broadcast_in_dim3A_4 {strides = array<i32>} : memref<64x1000xf32, #tpu.memory_space<vmem>>, vector<16xf32>,
      %swap3A_732 = arith.index_cast %add3A_672 : i32 to index
      %swap3A_733 = arith.constant 320 : index
      %swap3A_734 = tpu.vector_load %arg5[%swap3A_732, %swap3A_733] {strides = array<i32>} : memref<64x1000xf32, #tpu.memory_space<vmem>>, vector<16xf32>,
      tpu.vector_store %arg5[%swap3A_732, %swap3A_733], %broadcast_in_dim3A_4 {strides = array<i32>} : memref<64x1000xf32, #tpu.memory_space<vmem>>, vector<16xf32>,
      %swap3A_735 = arith.index_cast %add3A_672 : i32 to index
      %swap3A_736 = arith.constant 336 : index
      %swap3A_737 = tpu.vector_load %arg5[%swap3A_735, %swap3A_736] {strides = array<i32>} : memref<64x1000xf32, #tpu.memory_space<vmem>>, vector<16xf32>,
      tpu.vector_store %arg5[%swap3A_735, %swap3A_736], %broadcast_in_dim3A_4 {strides = array<i32>} : memref<64x1000xf32, #tpu.memory_space<vmem>>, vector<16xf32>,
      %swap3A_738 = arith.index_cast %add3A_672 : i32 to index
      %swap3A_739 = arith.constant 352 : index
      %swap3A_740 = tpu.vector_load %arg5[%swap3A_738, %swap3A_739] {strides = array<i32>} : memref<64x1000xf32, #tpu.memory_space<vmem>>, vector<16xf32>,
      tpu.vector_store %arg5[%swap3A_738, %swap3A_739], %broadcast_in_dim3A_4 {strides = array<i32>} : memref<64x1000xf32, #tpu.memory_space<vmem>>, vector<16xf32>,
      %swap3A_741 = arith.index_cast %add3A_672 : i32 to index
      %swap3A_742 = arith.constant 368 : index
      %swap3A_743 = tpu.vector_load %arg5[%swap3A_741, %swap3A_742] {strides = array<i32>} : memref<64x1000xf32, #tpu.memory_space<vmem>>, vector<16xf32>,
      tpu.vector_store %arg5[%swap3A_741, %swap3A_742], %broadcast_in_dim3A_4 {strides = array<i32>} : memref<64x1000xf32, #tpu.memory_space<vmem>>, vector<16xf32>,
      %swap3A_744 = arith.index_cast %add3A_672 : i32 to index
      %swap3A_745 = arith.constant 384 : index
      %swap3A_746 = tpu.vector_load %arg5[%swap3A_744, %swap3A_745] {strides = array<i32>} : memref<64x1000xf32, #tpu.memory_space<vmem>>, vector<16xf32>,
      tpu.vector_store %arg5[%swap3A_744, %swap3A_745], %broadcast_in_dim3A_4 {strides = array<i32>} : memref<64x1000xf32, #tpu.memory_space<vmem>>, vector<16xf32>,
      %swap3A_747 = arith.index_cast %add3A_672 : i32 to index
      %swap3A_748 = arith.constant 400 : index
      %swap3A_749 = tpu.vector_load %arg5[%swap3A_747, %swap3A_748] {strides = array<i32>} : memref<64x1000xf32, #tpu.memory_space<vmem>>, vector<16xf32>,
      tpu.vector_store %arg5[%swap3A_747, %swap3A_748], %broadcast_in_dim3A_4 {strides = array<i32>} : memref<64x1000xf32, #tpu.memory_space<vmem>>, vector<16xf32>,
      %swap3A_750 = arith.index_cast %add3A_672 : i32 to index
      %swap3A_751 = arith.constant 416 : index
      %swap3A_752 = tpu.vector_load %arg5[%swap3A_750, %swap3A_751] {strides = array<i32>} : memref<64x1000xf32, #tpu.memory_space<vmem>>, vector<16xf32>,
      tpu.vector_store %arg5[%swap3A_750, %swap3A_751], %broadcast_in_dim3A_4 {strides = array<i32>} : memref<64x1000xf32, #tpu.memory_space<vmem>>, vector<16xf32>,
      %swap3A_753 = arith.index_cast %add3A_672 : i32 to index
      %swap3A_754 = arith.constant 432 : index
      %swap3A_755 = tpu.vector_load %arg5[%swap3A_753, %swap3A_754] {strides = array<i32>} : memref<64x1000xf32, #tpu.memory_space<vmem>>, vector<16xf32>,
      tpu.vector_store %arg5[%swap3A_753, %swap3A_754], %broadcast_in_dim3A_4 {strides = array<i32>} : memref<64x1000xf32, #tpu.memory_space<vmem>>, vector<16xf32>,
      %swap3A_756 = arith.index_cast %add3A_672 : i32 to index
      %swap3A_757 = arith.constant 448 : index
      %swap3A_758 = tpu.vector_load %arg5[%swap3A_756, %swap3A_757] {strides = array<i32>} : memref<64x1000xf32, #tpu.memory_space<vmem>>, vector<16xf32>,
      tpu.vector_store %arg5[%swap3A_756, %swap3A_757], %broadcast_in_dim3A_4 {strides = array<i32>} : memref<64x1000xf32, #tpu.memory_space<vmem>>, vector<16xf32>,
      %swap3A_759 = arith.index_cast %add3A_672 : i32 to index
      %swap3A_760 = arith.constant 464 : index
      %swap3A_761 = tpu.vector_load %arg5[%swap3A_759, %swap3A_760] {strides = array<i32>} : memref<64x1000xf32, #tpu.memory_space<vmem>>, vector<16xf32>,
      tpu.vector_store %arg5[%swap3A_759, %swap3A_760], %broadcast_in_dim3A_4 {strides = array<i32>} : memref<64x1000xf32, #tpu.memory_space<vmem>>, vector<16xf32>,
      %swap3A_762 = arith.index_cast %add3A_672 : i32 to index
      %swap3A_763 = arith.constant 480 : index
      %swap3A_764 = tpu.vector_load %arg5[%swap3A_762, %swap3A_763] {strides = array<i32>} : memref<64x1000xf32, #tpu.memory_space<vmem>>, vector<16xf32>,
      tpu.vector_store %arg5[%swap3A_762, %swap3A_763], %broadcast_in_dim3A_4 {strides = array<i32>} : memref<64x1000xf32, #tpu.memory_space<vmem>>, vector<16xf32>,
      %swap3A_765 = arith.index_cast %add3A_672 : i32 to index
      %swap3A_766 = arith.constant 496 : index
      %swap3A_767 = tpu.vector_load %arg5[%swap3A_765, %swap3A_766] {strides = array<i32>} : memref<64x1000xf32, #tpu.memory_space<vmem>>, vector<16xf32>,
      tpu.vector_store %arg5[%swap3A_765, %swap3A_766], %broadcast_in_dim3A_4 {strides = array<i32>} : memref<64x1000xf32, #tpu.memory_space<vmem>>, vector<16xf32>,
      %swap3A_768 = arith.index_cast %add3A_672 : i32 to index
      %swap3A_769 = arith.constant 512 : index
      %swap3A_770 = tpu.vector_load %arg5[%swap3A_768, %swap3A_769] {strides = array<i32>} : memref<64x1000xf32, #tpu.memory_space<vmem>>, vector<16xf32>,
      tpu.vector_store %arg5[%swap3A_768, %swap3A_769], %broadcast_in_dim3A_4 {strides = array<i32>} : memref<64x1000xf32, #tpu.memory_space<vmem>>, vector<16xf32>,
      %swap3A_771 = arith.index_cast %add3A_672 : i32 to index
      %swap3A_772 = arith.constant 528 : index
      %swap3A_773 = tpu.vector_load %arg5[%swap3A_771, %swap3A_772] {strides = array<i32>} : memref<64x1000xf32, #tpu.memory_space<vmem>>, vector<16xf32>,
      tpu.vector_store %arg5[%swap3A_771, %swap3A_772], %broadcast_in_dim3A_4 {strides = array<i32>} : memref<64x1000xf32, #tpu.memory_space<vmem>>, vector<16xf32>,
      %swap3A_774 = arith.index_cast %add3A_672 : i32 to index
      %swap3A_775 = arith.constant 544 : index
      %swap3A_776 = tpu.vector_load %arg5[%swap3A_774, %swap3A_775] {strides = array<i32>} : memref<64x1000xf32, #tpu.memory_space<vmem>>, vector<16xf32>,
      tpu.vector_store %arg5[%swap3A_774, %swap3A_775], %broadcast_in_dim3A_4 {strides = array<i32>} : memref<64x1000xf32, #tpu.memory_space<vmem>>, vector<16xf32>,
      %swap3A_777 = arith.index_cast %add3A_672 : i32 to index
      %swap3A_778 = arith.constant 560 : index
      %swap3A_779 = tpu.vector_load %arg5[%swap3A_777, %swap3A_778] {strides = array<i32>} : memref<64x1000xf32, #tpu.memory_space<vmem>>, vector<16xf32>,
      tpu.vector_store %arg5[%swap3A_777, %swap3A_778], %broadcast_in_dim3A_4 {strides = array<i32>} : memref<64x1000xf32, #tpu.memory_space<vmem>>, vector<16xf32>,
      %swap3A_780 = arith.index_cast %add3A_672 : i32 to index
      %swap3A_781 = arith.constant 576 : index
      %swap3A_782 = tpu.vector_load %arg5[%swap3A_780, %swap3A_781] {strides = array<i32>} : memref<64x1000xf32, #tpu.memory_space<vmem>>, vector<16xf32>,
      tpu.vector_store %arg5[%swap3A_780, %swap3A_781], %broadcast_in_dim3A_4 {strides = array<i32>} : memref<64x1000xf32, #tpu.memory_space<vmem>>, vector<16xf32>,
      %swap3A_783 = arith.index_cast %add3A_672 : i32 to index
      %swap3A_784 = arith.constant 592 : index
      %swap3A_785 = tpu.vector_load %arg5[%swap3A_783, %swap3A_784] {strides = array<i32>} : memref<64x1000xf32, #tpu.memory_space<vmem>>, vector<16xf32>,
      tpu.vector_store %arg5[%swap3A_783, %swap3A_784], %broadcast_in_dim3A_4 {strides = array<i32>} : memref<64x1000xf32, #tpu.memory_space<vmem>>, vector<16xf32>,
      %swap3A_786 = arith.index_cast %add3A_672 : i32 to index
      %swap3A_787 = arith.constant 608 : index
      %swap3A_788 = tpu.vector_load %arg5[%swap3A_786, %swap3A_787] {strides = array<i32>} : memref<64x1000xf32, #tpu.memory_space<vmem>>, vector<16xf32>,
      tpu.vector_store %arg5[%swap3A_786, %swap3A_787], %broadcast_in_dim3A_4 {strides = array<i32>} : memref<64x1000xf32, #tpu.memory_space<vmem>>, vector<16xf32>,
      %swap3A_789 = arith.index_cast %add3A_672 : i32 to index
      %swap3A_790 = arith.constant 624 : index
      %swap3A_791 = tpu.vector_load %arg5[%swap3A_789, %swap3A_790] {strides = array<i32>} : memref<64x1000xf32, #tpu.memory_space<vmem>>, vector<16xf32>,
      tpu.vector_store %arg5[%swap3A_789, %swap3A_790], %broadcast_in_dim3A_4 {strides = array<i32>} : memref<64x1000xf32, #tpu.memory_space<vmem>>, vector<16xf32>,
      %swap3A_792 = arith.index_cast %add3A_672 : i32 to index
      %swap3A_793 = arith.constant 640 : index
      %swap3A_794 = tpu.vector_load %arg5[%swap3A_792, %swap3A_793] {strides = array<i32>} : memref<64x1000xf32, #tpu.memory_space<vmem>>, vector<16xf32>,
      tpu.vector_store %arg5[%swap3A_792, %swap3A_793], %broadcast_in_dim3A_4 {strides = array<i32>} : memref<64x1000xf32, #tpu.memory_space<vmem>>, vector<16xf32>,
      %swap3A_795 = arith.index_cast %add3A_672 : i32 to index
      %swap3A_796 = arith.constant 656 : index
      %swap3A_797 = tpu.vector_load %arg5[%swap3A_795, %swap3A_796] {strides = array<i32>} : memref<64x1000xf32, #tpu.memory_space<vmem>>, vector<16xf32>,
      tpu.vector_store %arg5[%swap3A_795, %swap3A_796], %broadcast_in_dim3A_4 {strides = array<i32>} : memref<64x1000xf32, #tpu.memory_space<vmem>>, vector<16xf32>,
      %swap3A_798 = arith.index_cast %add3A_672 : i32 to index
      %swap3A_799 = arith.constant 672 : index
      %swap3A_800 = tpu.vector_load %arg5[%swap3A_798, %swap3A_799] {strides = array<i32>} : memref<64x1000xf32, #tpu.memory_space<vmem>>, vector<16xf32>,
      tpu.vector_store %arg5[%swap3A_798, %swap3A_799], %broadcast_in_dim3A_4 {strides = array<i32>} : memref<64x1000xf32, #tpu.memory_space<vmem>>, vector<16xf32>,
      %swap3A_801 = arith.index_cast %add3A_672 : i32 to index
      %swap3A_802 = arith.constant 688 : index
      %swap3A_803 = tpu.vector_load %arg5[%swap3A_801, %swap3A_802] {strides = array<i32>} : memref<64x1000xf32, #tpu.memory_space<vmem>>, vector<16xf32>,
      tpu.vector_store %arg5[%swap3A_801, %swap3A_802], %broadcast_in_dim3A_4 {strides = array<i32>} : memref<64x1000xf32, #tpu.memory_space<vmem>>, vector<16xf32>,
      %swap3A_804 = arith.index_cast %add3A_672 : i32 to index
      %swap3A_805 = arith.constant 704 : index
      %swap3A_806 = tpu.vector_load %arg5[%swap3A_804, %swap3A_805] {strides = array<i32>} : memref<64x1000xf32, #tpu.memory_space<vmem>>, vector<16xf32>,
      tpu.vector_store %arg5[%swap3A_804, %swap3A_805], %broadcast_in_dim3A_4 {strides = array<i32>} : memref<64x1000xf32, #tpu.memory_space<vmem>>, vector<16xf32>,
      %swap3A_807 = arith.index_cast %add3A_672 : i32 to index
      %swap3A_808 = arith.constant 720 : index
      %swap3A_809 = tpu.vector_load %arg5[%swap3A_807, %swap3A_808] {strides = array<i32>} : memref<64x1000xf32, #tpu.memory_space<vmem>>, vector<16xf32>,
      tpu.vector_store %arg5[%swap3A_807, %swap3A_808], %broadcast_in_dim3A_4 {strides = array<i32>} : memref<64x1000xf32, #tpu.memory_space<vmem>>, vector<16xf32>,
      %swap3A_810 = arith.index_cast %add3A_672 : i32 to index
      %swap3A_811 = arith.constant 736 : index
      %swap3A_812 = tpu.vector_load %arg5[%swap3A_810, %swap3A_811] {strides = array<i32>} : memref<64x1000xf32, #tpu.memory_space<vmem>>, vector<16xf32>,
      tpu.vector_store %arg5[%swap3A_810, %swap3A_811], %broadcast_in_dim3A_4 {strides = array<i32>} : memref<64x1000xf32, #tpu.memory_space<vmem>>, vector<16xf32>,
      %swap3A_813 = arith.index_cast %add3A_672 : i32 to index
      %swap3A_814 = arith.constant 752 : index
      %swap3A_815 = tpu.vector_load %arg5[%swap3A_813, %swap3A_814] {strides = array<i32>} : memref<64x1000xf32, #tpu.memory_space<vmem>>, vector<16xf32>,
      tpu.vector_store %arg5[%swap3A_813, %swap3A_814], %broadcast_in_dim3A_4 {strides = array<i32>} : memref<64x1000xf32, #tpu.memory_space<vmem>>, vector<16xf32>,
      %swap3A_816 = arith.index_cast %add3A_672 : i32 to index
      %swap3A_817 = arith.constant 768 : index
      %swap3A_818 = tpu.vector_load %arg5[%swap3A_816, %swap3A_817] {strides = array<i32>} : memref<64x1000xf32, #tpu.memory_space<vmem>>, vector<16xf32>,
      tpu.vector_store %arg5[%swap3A_816, %swap3A_817], %broadcast_in_dim3A_4 {strides = array<i32>} : memref<64x1000xf32, #tpu.memory_space<vmem>>, vector<16xf32>,
      %swap3A_819 = arith.index_cast %add3A_672 : i32 to index
      %swap3A_820 = arith.constant 784 : index
      %swap3A_821 = tpu.vector_load %arg5[%swap3A_819, %swap3A_820] {strides = array<i32>} : memref<64x1000xf32, #tpu.memory_space<vmem>>, vector<16xf32>,
      tpu.vector_store %arg5[%swap3A_819, %swap3A_820], %broadcast_in_dim3A_4 {strides = array<i32>} : memref<64x1000xf32, #tpu.memory_space<vmem>>, vector<16xf32>,
      %swap3A_822 = arith.index_cast %add3A_672 : i32 to index
      %swap3A_823 = arith.constant 800 : index
      %swap3A_824 = tpu.vector_load %arg5[%swap3A_822, %swap3A_823] {strides = array<i32>} : memref<64x1000xf32, #tpu.memory_space<vmem>>, vector<16xf32>,
      tpu.vector_store %arg5[%swap3A_822, %swap3A_823], %broadcast_in_dim3A_4 {strides = array<i32>} : memref<64x1000xf32, #tpu.memory_space<vmem>>, vector<16xf32>,
      %swap3A_825 = arith.index_cast %add3A_672 : i32 to index
      %swap3A_826 = arith.constant 816 : index
      %swap3A_827 = tpu.vector_load %arg5[%swap3A_825, %swap3A_826] {strides = array<i32>} : memref<64x1000xf32, #tpu.memory_space<vmem>>, vector<16xf32>,
      tpu.vector_store %arg5[%swap3A_825, %swap3A_826], %broadcast_in_dim3A_4 {strides = array<i32>} : memref<64x1000xf32, #tpu.memory_space<vmem>>, vector<16xf32>,
      %swap3A_828 = arith.index_cast %add3A_672 : i32 to index
      %swap3A_829 = arith.constant 832 : index
      %swap3A_830 = tpu.vector_load %arg5[%swap3A_828, %swap3A_829] {strides = array<i32>} : memref<64x1000xf32, #tpu.memory_space<vmem>>, vector<16xf32>,
      tpu.vector_store %arg5[%swap3A_828, %swap3A_829], %broadcast_in_dim3A_4 {strides = array<i32>} : memref<64x1000xf32, #tpu.memory_space<vmem>>, vector<16xf32>,
      %swap3A_831 = arith.index_cast %add3A_672 : i32 to index
      %swap3A_832 = arith.constant 848 : index
      %swap3A_833 = tpu.vector_load %arg5[%swap3A_831, %swap3A_832] {strides = array<i32>} : memref<64x1000xf32, #tpu.memory_space<vmem>>, vector<16xf32>,
      tpu.vector_store %arg5[%swap3A_831, %swap3A_832], %broadcast_in_dim3A_4 {strides = array<i32>} : memref<64x1000xf32, #tpu.memory_space<vmem>>, vector<16xf32>,
      %swap3A_834 = arith.index_cast %add3A_672 : i32 to index
      %swap3A_835 = arith.constant 864 : index
      %swap3A_836 = tpu.vector_load %arg5[%swap3A_834, %swap3A_835] {strides = array<i32>} : memref<64x1000xf32, #tpu.memory_space<vmem>>, vector<16xf32>,
      tpu.vector_store %arg5[%swap3A_834, %swap3A_835], %broadcast_in_dim3A_4 {strides = array<i32>} : memref<64x1000xf32, #tpu.memory_space<vmem>>, vector<16xf32>,
      %swap3A_837 = arith.index_cast %add3A_672 : i32 to index
      %swap3A_838 = arith.constant 880 : index
      %swap3A_839 = tpu.vector_load %arg5[%swap3A_837, %swap3A_838] {strides = array<i32>} : memref<64x1000xf32, #tpu.memory_space<vmem>>, vector<16xf32>,
      tpu.vector_store %arg5[%swap3A_837, %swap3A_838], %broadcast_in_dim3A_4 {strides = array<i32>} : memref<64x1000xf32, #tpu.memory_space<vmem>>, vector<16xf32>,
      %swap3A_840 = arith.index_cast %add3A_672 : i32 to index
      %swap3A_841 = arith.constant 896 : index
      %swap3A_842 = tpu.vector_load %arg5[%swap3A_840, %swap3A_841] {strides = array<i32>} : memref<64x1000xf32, #tpu.memory_space<vmem>>, vector<16xf32>,
      tpu.vector_store %arg5[%swap3A_840, %swap3A_841], %broadcast_in_dim3A_4 {strides = array<i32>} : memref<64x1000xf32, #tpu.memory_space<vmem>>, vector<16xf32>,
      %swap3A_843 = arith.index_cast %add3A_672 : i32 to index
      %swap3A_844 = arith.constant 912 : index
      %swap3A_845 = tpu.vector_load %arg5[%swap3A_843, %swap3A_844] {strides = array<i32>} : memref<64x1000xf32, #tpu.memory_space<vmem>>, vector<16xf32>,
      tpu.vector_store %arg5[%swap3A_843, %swap3A_844], %broadcast_in_dim3A_4 {strides = array<i32>} : memref<64x1000xf32, #tpu.memory_space<vmem>>, vector<16xf32>,
      %swap3A_846 = arith.index_cast %add3A_672 : i32 to index
      %swap3A_847 = arith.constant 928 : index
      %swap3A_848 = tpu.vector_load %arg5[%swap3A_846, %swap3A_847] {strides = array<i32>} : memref<64x1000xf32, #tpu.memory_space<vmem>>, vector<16xf32>,
      tpu.vector_store %arg5[%swap3A_846, %swap3A_847], %broadcast_in_dim3A_4 {strides = array<i32>} : memref<64x1000xf32, #tpu.memory_space<vmem>>, vector<16xf32>,
      %swap3A_849 = arith.index_cast %add3A_672 : i32 to index
      %swap3A_850 = arith.constant 944 : index
      %swap3A_851 = tpu.vector_load %arg5[%swap3A_849, %swap3A_850] {strides = array<i32>} : memref<64x1000xf32, #tpu.memory_space<vmem>>, vector<16xf32>,
      tpu.vector_store %arg5[%swap3A_849, %swap3A_850], %broadcast_in_dim3A_4 {strides = array<i32>} : memref<64x1000xf32, #tpu.memory_space<vmem>>, vector<16xf32>,
      %swap3A_852 = arith.index_cast %add3A_672 : i32 to index
      %swap3A_853 = arith.constant 960 : index
      %swap3A_854 = tpu.vector_load %arg5[%swap3A_852, %swap3A_853] {strides = array<i32>} : memref<64x1000xf32, #tpu.memory_space<vmem>>, vector<16xf32>,
      tpu.vector_store %arg5[%swap3A_852, %swap3A_853], %broadcast_in_dim3A_4 {strides = array<i32>} : memref<64x1000xf32, #tpu.memory_space<vmem>>, vector<16xf32>,
      %swap3A_855 = arith.index_cast %add3A_672 : i32 to index
      %swap3A_856 = arith.constant 976 : index
      %swap3A_857 = tpu.vector_load %arg5[%swap3A_855, %swap3A_856] {strides = array<i32>} : memref<64x1000xf32, #tpu.memory_space<vmem>>, vector<16xf32>,
      tpu.vector_store %arg5[%swap3A_855, %swap3A_856], %broadcast_in_dim3A_4 {strides = array<i32>} : memref<64x1000xf32, #tpu.memory_space<vmem>>, vector<16xf32>,
      %swap3A_858 = arith.index_cast %add3A_672 : i32 to index
      %swap3A_859 = arith.constant 984 : index
      %swap3A_860 = tpu.vector_load %arg5[%swap3A_858, %swap3A_859] {strides = array<i32>} : memref<64x1000xf32, #tpu.memory_space<vmem>>, vector<16xf32>,
      tpu.vector_store %arg5[%swap3A_858, %swap3A_859], %broadcast_in_dim3A_4 {strides = array<i32>} : memref<64x1000xf32, #tpu.memory_space<vmem>>, vector<16xf32>,
    }
    %scan3A_37 = arith.constant 32 : i32
    %add3A_38 = arith.constant 32 : i32
    %add3A_39 = vector.broadcast %add3A_38 : i32 to vector<16xi32>
    %add3A_40 = arith.addi %add3A_39, %iota3A : vector<16xi32>
    %get3A_41 = arith.constant 32 : index
    %get3A_42 = tpu.vector_load %arg4[%get3A_41] {strides = array<i32>} : memref<512xi32, #tpu.memory_space<vmem>>, vector<16xi32>,
    tpu.vector_store_idx %arg5[%add3A_40, %get3A_42], %broadcast_in_dim3A_6 : memref<64x1000xf32, #tpu.memory_space<vmem>>[vector<16xi32>, vector<16xi32>], vector<16xf32>,
    %add3A_43 = arith.constant 48 : i32
    %add3A_44 = vector.broadcast %add3A_43 : i32 to vector<16xi32>
    %add3A_45 = arith.addi %add3A_44, %iota3A : vector<16xi32>
    %get3A_46 = arith.constant 48 : index
    %get3A_47 = tpu.vector_load %arg4[%get3A_46] {strides = array<i32>} : memref<512xi32, #tpu.memory_space<vmem>>, vector<16xi32>,
    tpu.vector_store_idx %arg5[%add3A_45, %get3A_47], %broadcast_in_dim3A_6 : memref<64x1000xf32, #tpu.memory_space<vmem>>[vector<16xi32>, vector<16xi32>], vector<16xf32>,
    %add3A_48 = arith.constant 32 : i32
    %add3A_49 = arith.addi %mul3A_2, %add3A_48 : i32
    %dma_start3A_50 = arith.constant 32 : i32
    %dma_start3A_51 = arith.constant 0 : i32
    %dma_start3A_52 = tpu.memref_slice %arg5[%dma_start3A_50, %dma_start3A_51] : memref<64x1000xf32, #tpu.memory_space<vmem>> -> memref<32x1000xf32, #tpu.memory_space<vmem>>
    %dma_start3A_53 = arith.constant 0 : i32
    %dma_start3A_54 = tpu.memref_slice %arg3[%add3A_49, %dma_start3A_53] : memref<16384x1000xf32, #tpu.memory_space<hbm>> -> memref<32x1000xf32, #tpu.memory_space<hbm>>
    %dma_start3A_55 = arith.constant 0 : i32
    %dma_start3A_56 = tpu.memref_slice %arg3[%add3A_49, %dma_start3A_55] : memref<16384x1000xf32, #tpu.memory_space<hbm>> -> memref<32x1000xf32, #tpu.memory_space<hbm>>
    %dma_start3A_57 = arith.constant 32 : i32
    %dma_start3A_58 = arith.constant 0 : i32
    %dma_start3A_59 = tpu.memref_slice %arg5[%dma_start3A_57, %dma_start3A_58] : memref<64x1000xf32, #tpu.memory_space<vmem>> -> memref<32x1000xf32, #tpu.memory_space<vmem>>
    tpu.enqueue_dma source(%dma_start3A_59 : memref<32x1000xf32, #tpu.memory_space<vmem>>) target(%dma_start3A_56 : memref<32x1000xf32, #tpu.memory_space<hbm>>) target_semaphore(%arg7 : memref<!tpu.dma_semaphore, #tpu.memory_space<semaphore_mem>>)
    %dma_wait3A_60 = arith.constant 0 : i32
    %dma_wait3A_61 = arith.constant 0 : i32
    %dma_wait3A_62 = tpu.memref_slice %arg5[%dma_wait3A_60, %dma_wait3A_61] : memref<64x1000xf32, #tpu.memory_space<vmem>> -> memref<32x1000xf32, #tpu.memory_space<vmem>>
    %dma_wait3A_63 = arith.constant 0 : i32
    %dma_wait3A_64 = tpu.memref_slice %arg3[%add3A_22, %dma_wait3A_63] : memref<16384x1000xf32, #tpu.memory_space<hbm>> -> memref<32x1000xf32, #tpu.memory_space<hbm>>
    %dma_wait3A_65 = arith.constant 0 : i32
    %dma_wait3A_66 = tpu.memref_slice %arg3[%add3A_22, %dma_wait3A_65] : memref<16384x1000xf32, #tpu.memory_space<hbm>> -> memref<32x1000xf32, #tpu.memory_space<hbm>>
    %dma_wait3A_67 = arith.constant 0 : i32
    %dma_wait3A_68 = arith.constant 0 : i32
    %dma_wait3A_69 = tpu.memref_slice %arg5[%dma_wait3A_67, %dma_wait3A_68] : memref<64x1000xf32, #tpu.memory_space<vmem>> -> memref<32x1000xf32, #tpu.memory_space<vmem>>
    tpu.wait_dma2 semaphore(%arg6 : memref<!tpu.dma_semaphore, #tpu.memory_space<semaphore_mem>>) src(%dma_wait3A_69 : memref<32x1000xf32, #tpu.memory_space<vmem>>) dst(%dma_wait3A_66 : memref<32x1000xf32, #tpu.memory_space<hbm>>)
    %add3A_70 = arith.constant 0 : i32
    %add3A_71 = vector.broadcast %add3A_70 : i32 to vector<16xi32>
    %add3A_72 = arith.addi %add3A_71, %iota3A : vector<16xi32>
    %get3A_73 = arith.constant 0 : index
    %get3A_74 = tpu.vector_load %arg4[%get3A_73] {strides = array<i32>} : memref<512xi32, #tpu.memory_space<vmem>>, vector<16xi32>,
    tpu.vector_store_idx %arg5[%add3A_72, %get3A_74], %broadcast_in_dim3A_4 : memref<64x1000xf32, #tpu.memory_space<vmem>>[vector<16xi32>, vector<16xi32>], vector<16xf32>,
    %add3A_75 = arith.constant 16 : i32
    %add3A_76 = vector.broadcast %add3A_75 : i32 to vector<16xi32>
    %add3A_77 = arith.addi %add3A_76, %iota3A : vector<16xi32>
    %get3A_78 = arith.constant 16 : index
    %get3A_79 = tpu.vector_load %arg4[%get3A_78] {strides = array<i32>} : memref<512xi32, #tpu.memory_space<vmem>>, vector<16xi32>,
    tpu.vector_store_idx %arg5[%add3A_77, %get3A_79], %broadcast_in_dim3A_4 : memref<64x1000xf32, #tpu.memory_space<vmem>>[vector<16xi32>, vector<16xi32>], vector<16xf32>,
    %add3A_80 = arith.constant 0 : i32
    %add3A_81 = vector.broadcast %add3A_80 : i32 to vector<16xi32>
    %add3A_82 = arith.addi %add3A_81, %iota3A : vector<16xi32>
    %get3A_83 = arith.constant 64 : index
    %get3A_84 = tpu.vector_load %arg4[%get3A_83] {strides = array<i32>} : memref<512xi32, #tpu.memory_space<vmem>>, vector<16xi32>,
    tpu.vector_store_idx %arg5[%add3A_82, %get3A_84], %broadcast_in_dim3A_6 : memref<64x1000xf32, #tpu.memory_space<vmem>>[vector<16xi32>, vector<16xi32>], vector<16xf32>,
    %add3A_85 = arith.constant 16 : i32
    %add3A_86 = vector.broadcast %add3A_85 : i32 to vector<16xi32>
    %add3A_87 = arith.addi %add3A_86, %iota3A : vector<16xi32>
    %get3A_88 = arith.constant 80 : index
    %get3A_89 = tpu.vector_load %arg4[%get3A_88] {strides = array<i32>} : memref<512xi32, #tpu.memory_space<vmem>>, vector<16xi32>,
    tpu.vector_store_idx %arg5[%add3A_87, %get3A_89], %broadcast_in_dim3A_6 : memref<64x1000xf32, #tpu.memory_space<vmem>>[vector<16xi32>, vector<16xi32>], vector<16xf32>,
    %add3A_90 = arith.constant 64 : i32
    %add3A_91 = arith.addi %mul3A_2, %add3A_90 : i32
    %dma_start3A_92 = arith.constant 0 : i32
    %dma_start3A_93 = arith.constant 0 : i32
    %dma_start3A_94 = tpu.memref_slice %arg5[%dma_start3A_92, %dma_start3A_93] : memref<64x1000xf32, #tpu.memory_space<vmem>> -> memref<32x1000xf32, #tpu.memory_space<vmem>>
    %dma_start3A_95 = arith.constant 0 : i32
    %dma_start3A_96 = tpu.memref_slice %arg3[%add3A_91, %dma_start3A_95] : memref<16384x1000xf32, #tpu.memory_space<hbm>> -> memref<32x1000xf32, #tpu.memory_space<hbm>>
    %dma_start3A_97 = arith.constant 0 : i32
    %dma_start3A_98 = tpu.memref_slice %arg3[%add3A_91, %dma_start3A_97] : memref<16384x1000xf32, #tpu.memory_space<hbm>> -> memref<32x1000xf32, #tpu.memory_space<hbm>>
    %dma_start3A_99 = arith.constant 0 : i32
    %dma_start3A_100 = arith.constant 0 : i32
    %dma_start3A_101 = tpu.memref_slice %arg5[%dma_start3A_99, %dma_start3A_100] : memref<64x1000xf32, #tpu.memory_space<vmem>> -> memref<32x1000xf32, #tpu.memory_space<vmem>>
    tpu.enqueue_dma source(%dma_start3A_101 : memref<32x1000xf32, #tpu.memory_space<vmem>>) target(%dma_start3A_98 : memref<32x1000xf32, #tpu.memory_space<hbm>>) target_semaphore(%arg6 : memref<!tpu.dma_semaphore, #tpu.memory_space<semaphore_mem>>)
    %dma_wait3A_102 = arith.constant 32 : i32
    %dma_wait3A_103 = arith.constant 0 : i32
    %dma_wait3A_104 = tpu.memref_slice %arg5[%dma_wait3A_102, %dma_wait3A_103] : memref<64x1000xf32, #tpu.memory_space<vmem>> -> memref<32x1000xf32, #tpu.memory_space<vmem>>
    %dma_wait3A_105 = arith.constant 0 : i32
    %dma_wait3A_106 = tpu.memref_slice %arg3[%add3A_49, %dma_wait3A_105] : memref<16384x1000xf32, #tpu.memory_space<hbm>> -> memref<32x1000xf32, #tpu.memory_space<hbm>>
    %dma_wait3A_107 = arith.constant 0 : i32
    %dma_wait3A_108 = tpu.memref_slice %arg3[%add3A_49, %dma_wait3A_107] : memref<16384x1000xf32, #tpu.memory_space<hbm>> -> memref<32x1000xf32, #tpu.memory_space<hbm>>
    %dma_wait3A_109 = arith.constant 32 : i32
    %dma_wait3A_110 = arith.constant 0 : i32
    %dma_wait3A_111 = tpu.memref_slice %arg5[%dma_wait3A_109, %dma_wait3A_110] : memref<64x1000xf32, #tpu.memory_space<vmem>> -> memref<32x1000xf32, #tpu.memory_space<vmem>>
    tpu.wait_dma2 semaphore(%arg7 : memref<!tpu.dma_semaphore, #tpu.memory_space<semaphore_mem>>) src(%dma_wait3A_111 : memref<32x1000xf32, #tpu.memory_space<vmem>>) dst(%dma_wait3A_108 : memref<32x1000xf32, #tpu.memory_space<hbm>>)
    %add3A_112 = arith.constant 32 : i32
    %add3A_113 = vector.broadcast %add3A_112 : i32 to vector<16xi32>
    %add3A_114 = arith.addi %add3A_113, %iota3A : vector<16xi32>
    %get3A_115 = arith.constant 32 : index
    %get3A_116 = tpu.vector_load %arg4[%get3A_115] {strides = array<i32>} : memref<512xi32, #tpu.memory_space<vmem>>, vector<16xi32>,
    tpu.vector_store_idx %arg5[%add3A_114, %get3A_116], %broadcast_in_dim3A_4 : memref<64x1000xf32, #tpu.memory_space<vmem>>[vector<16xi32>, vector<16xi32>], vector<16xf32>,
    %add3A_117 = arith.constant 48 : i32
    %add3A_118 = vector.broadcast %add3A_117 : i32 to vector<16xi32>
    %add3A_119 = arith.addi %add3A_118, %iota3A : vector<16xi32>
    %get3A_120 = arith.constant 48 : index
    %get3A_121 = tpu.vector_load %arg4[%get3A_120] {strides = array<i32>} : memref<512xi32, #tpu.memory_space<vmem>>, vector<16xi32>,
    tpu.vector_store_idx %arg5[%add3A_119, %get3A_121], %broadcast_in_dim3A_4 : memref<64x1000xf32, #tpu.memory_space<vmem>>[vector<16xi32>, vector<16xi32>], vector<16xf32>,
    %add3A_122 = arith.constant 32 : i32
    %add3A_123 = vector.broadcast %add3A_122 : i32 to vector<16xi32>
    %add3A_124 = arith.addi %add3A_123, %iota3A : vector<16xi32>
    %get3A_125 = arith.constant 96 : index
    %get3A_126 = tpu.vector_load %arg4[%get3A_125] {strides = array<i32>} : memref<512xi32, #tpu.memory_space<vmem>>, vector<16xi32>,
    tpu.vector_store_idx %arg5[%add3A_124, %get3A_126], %broadcast_in_dim3A_6 : memref<64x1000xf32, #tpu.memory_space<vmem>>[vector<16xi32>, vector<16xi32>], vector<16xf32>,
    %add3A_127 = arith.constant 48 : i32
    %add3A_128 = vector.broadcast %add3A_127 : i32 to vector<16xi32>
    %add3A_129 = arith.addi %add3A_128, %iota3A : vector<16xi32>
    %get3A_130 = arith.constant 112 : index
    %get3A_131 = tpu.vector_load %arg4[%get3A_130] {strides = array<i32>} : memref<512xi32, #tpu.memory_space<vmem>>, vector<16xi32>,
    tpu.vector_store_idx %arg5[%add3A_129, %get3A_131], %broadcast_in_dim3A_6 : memref<64x1000xf32, #tpu.memory_space<vmem>>[vector<16xi32>, vector<16xi32>], vector<16xf32>,
    %add3A_132 = arith.constant 96 : i32
    %add3A_133 = arith.addi %mul3A_2, %add3A_132 : i32
    %dma_start3A_134 = arith.constant 32 : i32
    %dma_start3A_135 = arith.constant 0 : i32
    %dma_start3A_136 = tpu.memref_slice %arg5[%dma_start3A_134, %dma_start3A_135] : memref<64x1000xf32, #tpu.memory_space<vmem>> -> memref<32x1000xf32, #tpu.memory_space<vmem>>
    %dma_start3A_137 = arith.constant 0 : i32
    %dma_start3A_138 = tpu.memref_slice %arg3[%add3A_133, %dma_start3A_137] : memref<16384x1000xf32, #tpu.memory_space<hbm>> -> memref<32x1000xf32, #tpu.memory_space<hbm>>
    %dma_start3A_139 = arith.constant 0 : i32
    %dma_start3A_140 = tpu.memref_slice %arg3[%add3A_133, %dma_start3A_139] : memref<16384x1000xf32, #tpu.memory_space<hbm>> -> memref<32x1000xf32, #tpu.memory_space<hbm>>
    %dma_start3A_141 = arith.constant 32 : i32
    %dma_start3A_142 = arith.constant 0 : i32
    %dma_start3A_143 = tpu.memref_slice %arg5[%dma_start3A_141, %dma_start3A_142] : memref<64x1000xf32, #tpu.memory_space<vmem>> -> memref<32x1000xf32, #tpu.memory_space<vmem>>
    tpu.enqueue_dma source(%dma_start3A_143 : memref<32x1000xf32, #tpu.memory_space<vmem>>) target(%dma_start3A_140 : memref<32x1000xf32, #tpu.memory_space<hbm>>) target_semaphore(%arg7 : memref<!tpu.dma_semaphore, #tpu.memory_space<semaphore_mem>>)
    %dma_wait3A_144 = arith.constant 0 : i32
    %dma_wait3A_145 = arith.constant 0 : i32
    %dma_wait3A_146 = tpu.memref_slice %arg5[%dma_wait3A_144, %dma_wait3A_145] : memref<64x1000xf32, #tpu.memory_space<vmem>> -> memref<32x1000xf32, #tpu.memory_space<vmem>>
    %dma_wait3A_147 = arith.constant 0 : i32
    %dma_wait3A_148 = tpu.memref_slice %arg3[%add3A_91, %dma_wait3A_147] : memref<16384x1000xf32, #tpu.memory_space<hbm>> -> memref<32x1000xf32, #tpu.memory_space<hbm>>
    %dma_wait3A_149 = arith.constant 0 : i32
    %dma_wait3A_150 = tpu.memref_slice %arg3[%add3A_91, %dma_wait3A_149] : memref<16384x1000xf32, #tpu.memory_space<hbm>> -> memref<32x1000xf32, #tpu.memory_space<hbm>>
    %dma_wait3A_151 = arith.constant 0 : i32
    %dma_wait3A_152 = arith.constant 0 : i32
    %dma_wait3A_153 = tpu.memref_slice %arg5[%dma_wait3A_151, %dma_wait3A_152] : memref<64x1000xf32, #tpu.memory_space<vmem>> -> memref<32x1000xf32, #tpu.memory_space<vmem>>
    tpu.wait_dma2 semaphore(%arg6 : memref<!tpu.dma_semaphore, #tpu.memory_space<semaphore_mem>>) src(%dma_wait3A_153 : memref<32x1000xf32, #tpu.memory_space<vmem>>) dst(%dma_wait3A_150 : memref<32x1000xf32, #tpu.memory_space<hbm>>)
    %add3A_154 = arith.constant 0 : i32
    %add3A_155 = vector.broadcast %add3A_154 : i32 to vector<16xi32>
    %add3A_156 = arith.addi %add3A_155, %iota3A : vector<16xi32>
    %get3A_157 = arith.constant 64 : index
    %get3A_158 = tpu.vector_load %arg4[%get3A_157] {strides = array<i32>} : memref<512xi32, #tpu.memory_space<vmem>>, vector<16xi32>,
    tpu.vector_store_idx %arg5[%add3A_156, %get3A_158], %broadcast_in_dim3A_4 : memref<64x1000xf32, #tpu.memory_space<vmem>>[vector<16xi32>, vector<16xi32>], vector<16xf32>,
    %add3A_159 = arith.constant 16 : i32
    %add3A_160 = vector.broadcast %add3A_159 : i32 to vector<16xi32>
    %add3A_161 = arith.addi %add3A_160, %iota3A : vector<16xi32>
    %get3A_162 = arith.constant 80 : index
    %get3A_163 = tpu.vector_load %arg4[%get3A_162] {strides = array<i32>} : memref<512xi32, #tpu.memory_space<vmem>>, vector<16xi32>,
    tpu.vector_store_idx %arg5[%add3A_161, %get3A_163], %broadcast_in_dim3A_4 : memref<64x1000xf32, #tpu.memory_space<vmem>>[vector<16xi32>, vector<16xi32>], vector<16xf32>,
    %add3A_164 = arith.constant 0 : i32
    %add3A_165 = vector.broadcast %add3A_164 : i32 to vector<16xi32>
    %add3A_166 = arith.addi %add3A_165, %iota3A : vector<16xi32>
    %get3A_167 = arith.constant 128 : index
    %get3A_168 = tpu.vector_load %arg4[%get3A_167] {strides = array<i32>} : memref<512xi32, #tpu.memory_space<vmem>>, vector<16xi32>,
    tpu.vector_store_idx %arg5[%add3A_166, %get3A_168], %broadcast_in_dim3A_6 : memref<64x1000xf32, #tpu.memory_space<vmem>>[vector<16xi32>, vector<16xi32>], vector<16xf32>,
    %add3A_169 = arith.constant 16 : i32
    %add3A_170 = vector.broadcast %add3A_169 : i32 to vector<16xi32>
    %add3A_171 = arith.addi %add3A_170, %iota3A : vector<16xi32>
    %get3A_172 = arith.constant 144 : index
    %get3A_173 = tpu.vector_load %arg4[%get3A_172] {strides = array<i32>} : memref<512xi32, #tpu.memory_space<vmem>>, vector<16xi32>,
    tpu.vector_store_idx %arg5[%add3A_171, %get3A_173], %broadcast_in_dim3A_6 : memref<64x1000xf32, #tpu.memory_space<vmem>>[vector<16xi32>, vector<16xi32>], vector<16xf32>,
    %add3A_174 = arith.constant 128 : i32
    %add3A_175 = arith.addi %mul3A_2, %add3A_174 : i32
    %dma_start3A_176 = arith.constant 0 : i32
    %dma_start3A_177 = arith.constant 0 : i32
    %dma_start3A_178 = tpu.memref_slice %arg5[%dma_start3A_176, %dma_start3A_177] : memref<64x1000xf32, #tpu.memory_space<vmem>> -> memref<32x1000xf32, #tpu.memory_space<vmem>>
    %dma_start3A_179 = arith.constant 0 : i32
    %dma_start3A_180 = tpu.memref_slice %arg3[%add3A_175, %dma_start3A_179] : memref<16384x1000xf32, #tpu.memory_space<hbm>> -> memref<32x1000xf32, #tpu.memory_space<hbm>>
    %dma_start3A_181 = arith.constant 0 : i32
    %dma_start3A_182 = tpu.memref_slice %arg3[%add3A_175, %dma_start3A_181] : memref<16384x1000xf32, #tpu.memory_space<hbm>> -> memref<32x1000xf32, #tpu.memory_space<hbm>>
    %dma_start3A_183 = arith.constant 0 : i32
    %dma_start3A_184 = arith.constant 0 : i32
    %dma_start3A_185 = tpu.memref_slice %arg5[%dma_start3A_183, %dma_start3A_184] : memref<64x1000xf32, #tpu.memory_space<vmem>> -> memref<32x1000xf32, #tpu.memory_space<vmem>>
    tpu.enqueue_dma source(%dma_start3A_185 : memref<32x1000xf32, #tpu.memory_space<vmem>>) target(%dma_start3A_182 : memref<32x1000xf32, #tpu.memory_space<hbm>>) target_semaphore(%arg6 : memref<!tpu.dma_semaphore, #tpu.memory_space<semaphore_mem>>)
    %dma_wait3A_186 = arith.constant 32 : i32
    %dma_wait3A_187 = arith.constant 0 : i32
    %dma_wait3A_188 = tpu.memref_slice %arg5[%dma_wait3A_186, %dma_wait3A_187] : memref<64x1000xf32, #tpu.memory_space<vmem>> -> memref<32x1000xf32, #tpu.memory_space<vmem>>
    %dma_wait3A_189 = arith.constant 0 : i32
    %dma_wait3A_190 = tpu.memref_slice %arg3[%add3A_133, %dma_wait3A_189] : memref<16384x1000xf32, #tpu.memory_space<hbm>> -> memref<32x1000xf32, #tpu.memory_space<hbm>>
    %dma_wait3A_191 = arith.constant 0 : i32
    %dma_wait3A_192 = tpu.memref_slice %arg3[%add3A_133, %dma_wait3A_191] : memref<16384x1000xf32, #tpu.memory_space<hbm>> -> memref<32x1000xf32, #tpu.memory_space<hbm>>
    %dma_wait3A_193 = arith.constant 32 : i32
    %dma_wait3A_194 = arith.constant 0 : i32
    %dma_wait3A_195 = tpu.memref_slice %arg5[%dma_wait3A_193, %dma_wait3A_194] : memref<64x1000xf32, #tpu.memory_space<vmem>> -> memref<32x1000xf32, #tpu.memory_space<vmem>>
    tpu.wait_dma2 semaphore(%arg7 : memref<!tpu.dma_semaphore, #tpu.memory_space<semaphore_mem>>) src(%dma_wait3A_195 : memref<32x1000xf32, #tpu.memory_space<vmem>>) dst(%dma_wait3A_192 : memref<32x1000xf32, #tpu.memory_space<hbm>>)
    %add3A_196 = arith.constant 32 : i32
    %add3A_197 = vector.broadcast %add3A_196 : i32 to vector<16xi32>
    %add3A_198 = arith.addi %add3A_197, %iota3A : vector<16xi32>
    %get3A_199 = arith.constant 96 : index
    %get3A_200 = tpu.vector_load %arg4[%get3A_199] {strides = array<i32>} : memref<512xi32, #tpu.memory_space<vmem>>, vector<16xi32>,
    tpu.vector_store_idx %arg5[%add3A_198, %get3A_200], %broadcast_in_dim3A_4 : memref<64x1000xf32, #tpu.memory_space<vmem>>[vector<16xi32>, vector<16xi32>], vector<16xf32>,
    %add3A_201 = arith.constant 48 : i32
    %add3A_202 = vector.broadcast %add3A_201 : i32 to vector<16xi32>
    %add3A_203 = arith.addi %add3A_202, %iota3A : vector<16xi32>
    %get3A_204 = arith.constant 112 : index
    %get3A_205 = tpu.vector_load %arg4[%get3A_204] {strides = array<i32>} : memref<512xi32, #tpu.memory_space<vmem>>, vector<16xi32>,
    tpu.vector_store_idx %arg5[%add3A_203, %get3A_205], %broadcast_in_dim3A_4 : memref<64x1000xf32, #tpu.memory_space<vmem>>[vector<16xi32>, vector<16xi32>], vector<16xf32>,
    %add3A_206 = arith.constant 32 : i32
    %add3A_207 = vector.broadcast %add3A_206 : i32 to vector<16xi32>
    %add3A_208 = arith.addi %add3A_207, %iota3A : vector<16xi32>
    %get3A_209 = arith.constant 160 : index
    %get3A_210 = tpu.vector_load %arg4[%get3A_209] {strides = array<i32>} : memref<512xi32, #tpu.memory_space<vmem>>, vector<16xi32>,
    tpu.vector_store_idx %arg5[%add3A_208, %get3A_210], %broadcast_in_dim3A_6 : memref<64x1000xf32, #tpu.memory_space<vmem>>[vector<16xi32>, vector<16xi32>], vector<16xf32>,
    %add3A_211 = arith.constant 48 : i32
    %add3A_212 = vector.broadcast %add3A_211 : i32 to vector<16xi32>
    %add3A_213 = arith.addi %add3A_212, %iota3A : vector<16xi32>
    %get3A_214 = arith.constant 176 : index
    %get3A_215 = tpu.vector_load %arg4[%get3A_214] {strides = array<i32>} : memref<512xi32, #tpu.memory_space<vmem>>, vector<16xi32>,
    tpu.vector_store_idx %arg5[%add3A_213, %get3A_215], %broadcast_in_dim3A_6 : memref<64x1000xf32, #tpu.memory_space<vmem>>[vector<16xi32>, vector<16xi32>], vector<16xf32>,
    %add3A_216 = arith.constant 160 : i32
    %add3A_217 = arith.addi %mul3A_2, %add3A_216 : i32
    %dma_start3A_218 = arith.constant 32 : i32
    %dma_start3A_219 = arith.constant 0 : i32
    %dma_start3A_220 = tpu.memref_slice %arg5[%dma_start3A_218, %dma_start3A_219] : memref<64x1000xf32, #tpu.memory_space<vmem>> -> memref<32x1000xf32, #tpu.memory_space<vmem>>
    %dma_start3A_221 = arith.constant 0 : i32
    %dma_start3A_222 = tpu.memref_slice %arg3[%add3A_217, %dma_start3A_221] : memref<16384x1000xf32, #tpu.memory_space<hbm>> -> memref<32x1000xf32, #tpu.memory_space<hbm>>
    %dma_start3A_223 = arith.constant 0 : i32
    %dma_start3A_224 = tpu.memref_slice %arg3[%add3A_217, %dma_start3A_223] : memref<16384x1000xf32, #tpu.memory_space<hbm>> -> memref<32x1000xf32, #tpu.memory_space<hbm>>
    %dma_start3A_225 = arith.constant 32 : i32
    %dma_start3A_226 = arith.constant 0 : i32
    %dma_start3A_227 = tpu.memref_slice %arg5[%dma_start3A_225, %dma_start3A_226] : memref<64x1000xf32, #tpu.memory_space<vmem>> -> memref<32x1000xf32, #tpu.memory_space<vmem>>
    tpu.enqueue_dma source(%dma_start3A_227 : memref<32x1000xf32, #tpu.memory_space<vmem>>) target(%dma_start3A_224 : memref<32x1000xf32, #tpu.memory_space<hbm>>) target_semaphore(%arg7 : memref<!tpu.dma_semaphore, #tpu.memory_space<semaphore_mem>>)
    %dma_wait3A_228 = arith.constant 0 : i32
    %dma_wait3A_229 = arith.constant 0 : i32
    %dma_wait3A_230 = tpu.memref_slice %arg5[%dma_wait3A_228, %dma_wait3A_229] : memref<64x1000xf32, #tpu.memory_space<vmem>> -> memref<32x1000xf32, #tpu.memory_space<vmem>>
    %dma_wait3A_231 = arith.constant 0 : i32
    %dma_wait3A_232 = tpu.memref_slice %arg3[%add3A_175, %dma_wait3A_231] : memref<16384x1000xf32, #tpu.memory_space<hbm>> -> memref<32x1000xf32, #tpu.memory_space<hbm>>
    %dma_wait3A_233 = arith.constant 0 : i32
    %dma_wait3A_234 = tpu.memref_slice %arg3[%add3A_175, %dma_wait3A_233] : memref<16384x1000xf32, #tpu.memory_space<hbm>> -> memref<32x1000xf32, #tpu.memory_space<hbm>>
    %dma_wait3A_235 = arith.constant 0 : i32
    %dma_wait3A_236 = arith.constant 0 : i32
    %dma_wait3A_237 = tpu.memref_slice %arg5[%dma_wait3A_235, %dma_wait3A_236] : memref<64x1000xf32, #tpu.memory_space<vmem>> -> memref<32x1000xf32, #tpu.memory_space<vmem>>
    tpu.wait_dma2 semaphore(%arg6 : memref<!tpu.dma_semaphore, #tpu.memory_space<semaphore_mem>>) src(%dma_wait3A_237 : memref<32x1000xf32, #tpu.memory_space<vmem>>) dst(%dma_wait3A_234 : memref<32x1000xf32, #tpu.memory_space<hbm>>)
    %add3A_238 = arith.constant 0 : i32
    %add3A_239 = vector.broadcast %add3A_238 : i32 to vector<16xi32>
    %add3A_240 = arith.addi %add3A_239, %iota3A : vector<16xi32>
    %get3A_241 = arith.constant 128 : index
    %get3A_242 = tpu.vector_load %arg4[%get3A_241] {strides = array<i32>} : memref<512xi32, #tpu.memory_space<vmem>>, vector<16xi32>,
    tpu.vector_store_idx %arg5[%add3A_240, %get3A_242], %broadcast_in_dim3A_4 : memref<64x1000xf32, #tpu.memory_space<vmem>>[vector<16xi32>, vector<16xi32>], vector<16xf32>,
    %add3A_243 = arith.constant 16 : i32
    %add3A_244 = vector.broadcast %add3A_243 : i32 to vector<16xi32>
    %add3A_245 = arith.addi %add3A_244, %iota3A : vector<16xi32>
    %get3A_246 = arith.constant 144 : index
    %get3A_247 = tpu.vector_load %arg4[%get3A_246] {strides = array<i32>} : memref<512xi32, #tpu.memory_space<vmem>>, vector<16xi32>,
    tpu.vector_store_idx %arg5[%add3A_245, %get3A_247], %broadcast_in_dim3A_4 : memref<64x1000xf32, #tpu.memory_space<vmem>>[vector<16xi32>, vector<16xi32>], vector<16xf32>,
    %add3A_248 = arith.constant 0 : i32
    %add3A_249 = vector.broadcast %add3A_248 : i32 to vector<16xi32>
    %add3A_250 = arith.addi %add3A_249, %iota3A : vector<16xi32>
    %get3A_251 = arith.constant 192 : index
    %get3A_252 = tpu.vector_load %arg4[%get3A_251] {strides = array<i32>} : memref<512xi32, #tpu.memory_space<vmem>>, vector<16xi32>,
    tpu.vector_store_idx %arg5[%add3A_250, %get3A_252], %broadcast_in_dim3A_6 : memref<64x1000xf32, #tpu.memory_space<vmem>>[vector<16xi32>, vector<16xi32>], vector<16xf32>,
    %add3A_253 = arith.constant 16 : i32
    %add3A_254 = vector.broadcast %add3A_253 : i32 to vector<16xi32>
    %add3A_255 = arith.addi %add3A_254, %iota3A : vector<16xi32>
    %get3A_256 = arith.constant 208 : index
    %get3A_257 = tpu.vector_load %arg4[%get3A_256] {strides = array<i32>} : memref<512xi32, #tpu.memory_space<vmem>>, vector<16xi32>,
    tpu.vector_store_idx %arg5[%add3A_255, %get3A_257], %broadcast_in_dim3A_6 : memref<64x1000xf32, #tpu.memory_space<vmem>>[vector<16xi32>, vector<16xi32>], vector<16xf32>,
    %add3A_258 = arith.constant 192 : i32
    %add3A_259 = arith.addi %mul3A_2, %add3A_258 : i32
    %dma_start3A_260 = arith.constant 0 : i32
    %dma_start3A_261 = arith.constant 0 : i32
    %dma_start3A_262 = tpu.memref_slice %arg5[%dma_start3A_260, %dma_start3A_261] : memref<64x1000xf32, #tpu.memory_space<vmem>> -> memref<32x1000xf32, #tpu.memory_space<vmem>>
    %dma_start3A_263 = arith.constant 0 : i32
    %dma_start3A_264 = tpu.memref_slice %arg3[%add3A_259, %dma_start3A_263] : memref<16384x1000xf32, #tpu.memory_space<hbm>> -> memref<32x1000xf32, #tpu.memory_space<hbm>>
    %dma_start3A_265 = arith.constant 0 : i32
    %dma_start3A_266 = tpu.memref_slice %arg3[%add3A_259, %dma_start3A_265] : memref<16384x1000xf32, #tpu.memory_space<hbm>> -> memref<32x1000xf32, #tpu.memory_space<hbm>>
    %dma_start3A_267 = arith.constant 0 : i32
    %dma_start3A_268 = arith.constant 0 : i32
    %dma_start3A_269 = tpu.memref_slice %arg5[%dma_start3A_267, %dma_start3A_268] : memref<64x1000xf32, #tpu.memory_space<vmem>> -> memref<32x1000xf32, #tpu.memory_space<vmem>>
    tpu.enqueue_dma source(%dma_start3A_269 : memref<32x1000xf32, #tpu.memory_space<vmem>>) target(%dma_start3A_266 : memref<32x1000xf32, #tpu.memory_space<hbm>>) target_semaphore(%arg6 : memref<!tpu.dma_semaphore, #tpu.memory_space<semaphore_mem>>)
    %dma_wait3A_270 = arith.constant 32 : i32
    %dma_wait3A_271 = arith.constant 0 : i32
    %dma_wait3A_272 = tpu.memref_slice %arg5[%dma_wait3A_270, %dma_wait3A_271] : memref<64x1000xf32, #tpu.memory_space<vmem>> -> memref<32x1000xf32, #tpu.memory_space<vmem>>
    %dma_wait3A_273 = arith.constant 0 : i32
    %dma_wait3A_274 = tpu.memref_slice %arg3[%add3A_217, %dma_wait3A_273] : memref<16384x1000xf32, #tpu.memory_space<hbm>> -> memref<32x1000xf32, #tpu.memory_space<hbm>>
    %dma_wait3A_275 = arith.constant 0 : i32
    %dma_wait3A_276 = tpu.memref_slice %arg3[%add3A_217, %dma_wait3A_275] : memref<16384x1000xf32, #tpu.memory_space<hbm>> -> memref<32x1000xf32, #tpu.memory_space<hbm>>
    %dma_wait3A_277 = arith.constant 32 : i32
    %dma_wait3A_278 = arith.constant 0 : i32
    %dma_wait3A_279 = tpu.memref_slice %arg5[%dma_wait3A_277, %dma_wait3A_278] : memref<64x1000xf32, #tpu.memory_space<vmem>> -> memref<32x1000xf32, #tpu.memory_space<vmem>>
    tpu.wait_dma2 semaphore(%arg7 : memref<!tpu.dma_semaphore, #tpu.memory_space<semaphore_mem>>) src(%dma_wait3A_279 : memref<32x1000xf32, #tpu.memory_space<vmem>>) dst(%dma_wait3A_276 : memref<32x1000xf32, #tpu.memory_space<hbm>>)
    %add3A_280 = arith.constant 32 : i32
    %add3A_281 = vector.broadcast %add3A_280 : i32 to vector<16xi32>
    %add3A_282 = arith.addi %add3A_281, %iota3A : vector<16xi32>
    %get3A_283 = arith.constant 160 : index
    %get3A_284 = tpu.vector_load %arg4[%get3A_283] {strides = array<i32>} : memref<512xi32, #tpu.memory_space<vmem>>, vector<16xi32>,
    tpu.vector_store_idx %arg5[%add3A_282, %get3A_284], %broadcast_in_dim3A_4 : memref<64x1000xf32, #tpu.memory_space<vmem>>[vector<16xi32>, vector<16xi32>], vector<16xf32>,
    %add3A_285 = arith.constant 48 : i32
    %add3A_286 = vector.broadcast %add3A_285 : i32 to vector<16xi32>
    %add3A_287 = arith.addi %add3A_286, %iota3A : vector<16xi32>
    %get3A_288 = arith.constant 176 : index
    %get3A_289 = tpu.vector_load %arg4[%get3A_288] {strides = array<i32>} : memref<512xi32, #tpu.memory_space<vmem>>, vector<16xi32>,
    tpu.vector_store_idx %arg5[%add3A_287, %get3A_289], %broadcast_in_dim3A_4 : memref<64x1000xf32, #tpu.memory_space<vmem>>[vector<16xi32>, vector<16xi32>], vector<16xf32>,
    %add3A_290 = arith.constant 32 : i32
    %add3A_291 = vector.broadcast %add3A_290 : i32 to vector<16xi32>
    %add3A_292 = arith.addi %add3A_291, %iota3A : vector<16xi32>
    %get3A_293 = arith.constant 224 : index
    %get3A_294 = tpu.vector_load %arg4[%get3A_293] {strides = array<i32>} : memref<512xi32, #tpu.memory_space<vmem>>, vector<16xi32>,
    tpu.vector_store_idx %arg5[%add3A_292, %get3A_294], %broadcast_in_dim3A_6 : memref<64x1000xf32, #tpu.memory_space<vmem>>[vector<16xi32>, vector<16xi32>], vector<16xf32>,
    %add3A_295 = arith.constant 48 : i32
    %add3A_296 = vector.broadcast %add3A_295 : i32 to vector<16xi32>
    %add3A_297 = arith.addi %add3A_296, %iota3A : vector<16xi32>
    %get3A_298 = arith.constant 240 : index
    %get3A_299 = tpu.vector_load %arg4[%get3A_298] {strides = array<i32>} : memref<512xi32, #tpu.memory_space<vmem>>, vector<16xi32>,
    tpu.vector_store_idx %arg5[%add3A_297, %get3A_299], %broadcast_in_dim3A_6 : memref<64x1000xf32, #tpu.memory_space<vmem>>[vector<16xi32>, vector<16xi32>], vector<16xf32>,
    %add3A_300 = arith.constant 224 : i32
    %add3A_301 = arith.addi %mul3A_2, %add3A_300 : i32
    %dma_start3A_302 = arith.constant 32 : i32
    %dma_start3A_303 = arith.constant 0 : i32
    %dma_start3A_304 = tpu.memref_slice %arg5[%dma_start3A_302, %dma_start3A_303] : memref<64x1000xf32, #tpu.memory_space<vmem>> -> memref<32x1000xf32, #tpu.memory_space<vmem>>
    %dma_start3A_305 = arith.constant 0 : i32
    %dma_start3A_306 = tpu.memref_slice %arg3[%add3A_301, %dma_start3A_305] : memref<16384x1000xf32, #tpu.memory_space<hbm>> -> memref<32x1000xf32, #tpu.memory_space<hbm>>
    %dma_start3A_307 = arith.constant 0 : i32
    %dma_start3A_308 = tpu.memref_slice %arg3[%add3A_301, %dma_start3A_307] : memref<16384x1000xf32, #tpu.memory_space<hbm>> -> memref<32x1000xf32, #tpu.memory_space<hbm>>
    %dma_start3A_309 = arith.constant 32 : i32
    %dma_start3A_310 = arith.constant 0 : i32
    %dma_start3A_311 = tpu.memref_slice %arg5[%dma_start3A_309, %dma_start3A_310] : memref<64x1000xf32, #tpu.memory_space<vmem>> -> memref<32x1000xf32, #tpu.memory_space<vmem>>
    tpu.enqueue_dma source(%dma_start3A_311 : memref<32x1000xf32, #tpu.memory_space<vmem>>) target(%dma_start3A_308 : memref<32x1000xf32, #tpu.memory_space<hbm>>) target_semaphore(%arg7 : memref<!tpu.dma_semaphore, #tpu.memory_space<semaphore_mem>>)
    %dma_wait3A_312 = arith.constant 0 : i32
    %dma_wait3A_313 = arith.constant 0 : i32
    %dma_wait3A_314 = tpu.memref_slice %arg5[%dma_wait3A_312, %dma_wait3A_313] : memref<64x1000xf32, #tpu.memory_space<vmem>> -> memref<32x1000xf32, #tpu.memory_space<vmem>>
    %dma_wait3A_315 = arith.constant 0 : i32
    %dma_wait3A_316 = tpu.memref_slice %arg3[%add3A_259, %dma_wait3A_315] : memref<16384x1000xf32, #tpu.memory_space<hbm>> -> memref<32x1000xf32, #tpu.memory_space<hbm>>
    %dma_wait3A_317 = arith.constant 0 : i32
    %dma_wait3A_318 = tpu.memref_slice %arg3[%add3A_259, %dma_wait3A_317] : memref<16384x1000xf32, #tpu.memory_space<hbm>> -> memref<32x1000xf32, #tpu.memory_space<hbm>>
    %dma_wait3A_319 = arith.constant 0 : i32
    %dma_wait3A_320 = arith.constant 0 : i32
    %dma_wait3A_321 = tpu.memref_slice %arg5[%dma_wait3A_319, %dma_wait3A_320] : memref<64x1000xf32, #tpu.memory_space<vmem>> -> memref<32x1000xf32, #tpu.memory_space<vmem>>
    tpu.wait_dma2 semaphore(%arg6 : memref<!tpu.dma_semaphore, #tpu.memory_space<semaphore_mem>>) src(%dma_wait3A_321 : memref<32x1000xf32, #tpu.memory_space<vmem>>) dst(%dma_wait3A_318 : memref<32x1000xf32, #tpu.memory_space<hbm>>)
    %add3A_322 = arith.constant 0 : i32
    %add3A_323 = vector.broadcast %add3A_322 : i32 to vector<16xi32>
    %add3A_324 = arith.addi %add3A_323, %iota3A : vector<16xi32>
    %get3A_325 = arith.constant 192 : index
    %get3A_326 = tpu.vector_load %arg4[%get3A_325] {strides = array<i32>} : memref<512xi32, #tpu.memory_space<vmem>>, vector<16xi32>,
    tpu.vector_store_idx %arg5[%add3A_324, %get3A_326], %broadcast_in_dim3A_4 : memref<64x1000xf32, #tpu.memory_space<vmem>>[vector<16xi32>, vector<16xi32>], vector<16xf32>,
    %add3A_327 = arith.constant 16 : i32
    %add3A_328 = vector.broadcast %add3A_327 : i32 to vector<16xi32>
    %add3A_329 = arith.addi %add3A_328, %iota3A : vector<16xi32>
    %get3A_330 = arith.constant 208 : index
    %get3A_331 = tpu.vector_load %arg4[%get3A_330] {strides = array<i32>} : memref<512xi32, #tpu.memory_space<vmem>>, vector<16xi32>,
    tpu.vector_store_idx %arg5[%add3A_329, %get3A_331], %broadcast_in_dim3A_4 : memref<64x1000xf32, #tpu.memory_space<vmem>>[vector<16xi32>, vector<16xi32>], vector<16xf32>,
    %add3A_332 = arith.constant 0 : i32
    %add3A_333 = vector.broadcast %add3A_332 : i32 to vector<16xi32>
    %add3A_334 = arith.addi %add3A_333, %iota3A : vector<16xi32>
    %get3A_335 = arith.constant 256 : index
    %get3A_336 = tpu.vector_load %arg4[%get3A_335] {strides = array<i32>} : memref<512xi32, #tpu.memory_space<vmem>>, vector<16xi32>,
    tpu.vector_store_idx %arg5[%add3A_334, %get3A_336], %broadcast_in_dim3A_6 : memref<64x1000xf32, #tpu.memory_space<vmem>>[vector<16xi32>, vector<16xi32>], vector<16xf32>,
    %add3A_337 = arith.constant 16 : i32
    %add3A_338 = vector.broadcast %add3A_337 : i32 to vector<16xi32>
    %add3A_339 = arith.addi %add3A_338, %iota3A : vector<16xi32>
    %get3A_340 = arith.constant 272 : index
    %get3A_341 = tpu.vector_load %arg4[%get3A_340] {strides = array<i32>} : memref<512xi32, #tpu.memory_space<vmem>>, vector<16xi32>,
    tpu.vector_store_idx %arg5[%add3A_339, %get3A_341], %broadcast_in_dim3A_6 : memref<64x1000xf32, #tpu.memory_space<vmem>>[vector<16xi32>, vector<16xi32>], vector<16xf32>,
    %add3A_342 = arith.constant 256 : i32
    %add3A_343 = arith.addi %mul3A_2, %add3A_342 : i32
    %dma_start3A_344 = arith.constant 0 : i32
    %dma_start3A_345 = arith.constant 0 : i32
    %dma_start3A_346 = tpu.memref_slice %arg5[%dma_start3A_344, %dma_start3A_345] : memref<64x1000xf32, #tpu.memory_space<vmem>> -> memref<32x1000xf32, #tpu.memory_space<vmem>>
    %dma_start3A_347 = arith.constant 0 : i32
    %dma_start3A_348 = tpu.memref_slice %arg3[%add3A_343, %dma_start3A_347] : memref<16384x1000xf32, #tpu.memory_space<hbm>> -> memref<32x1000xf32, #tpu.memory_space<hbm>>
    %dma_start3A_349 = arith.constant 0 : i32
    %dma_start3A_350 = tpu.memref_slice %arg3[%add3A_343, %dma_start3A_349] : memref<16384x1000xf32, #tpu.memory_space<hbm>> -> memref<32x1000xf32, #tpu.memory_space<hbm>>
    %dma_start3A_351 = arith.constant 0 : i32
    %dma_start3A_352 = arith.constant 0 : i32
    %dma_start3A_353 = tpu.memref_slice %arg5[%dma_start3A_351, %dma_start3A_352] : memref<64x1000xf32, #tpu.memory_space<vmem>> -> memref<32x1000xf32, #tpu.memory_space<vmem>>
    tpu.enqueue_dma source(%dma_start3A_353 : memref<32x1000xf32, #tpu.memory_space<vmem>>) target(%dma_start3A_350 : memref<32x1000xf32, #tpu.memory_space<hbm>>) target_semaphore(%arg6 : memref<!tpu.dma_semaphore, #tpu.memory_space<semaphore_mem>>)
    %dma_wait3A_354 = arith.constant 32 : i32
    %dma_wait3A_355 = arith.constant 0 : i32
    %dma_wait3A_356 = tpu.memref_slice %arg5[%dma_wait3A_354, %dma_wait3A_355] : memref<64x1000xf32, #tpu.memory_space<vmem>> -> memref<32x1000xf32, #tpu.memory_space<vmem>>
    %dma_wait3A_357 = arith.constant 0 : i32
    %dma_wait3A_358 = tpu.memref_slice %arg3[%add3A_301, %dma_wait3A_357] : memref<16384x1000xf32, #tpu.memory_space<hbm>> -> memref<32x1000xf32, #tpu.memory_space<hbm>>
    %dma_wait3A_359 = arith.constant 0 : i32
    %dma_wait3A_360 = tpu.memref_slice %arg3[%add3A_301, %dma_wait3A_359] : memref<16384x1000xf32, #tpu.memory_space<hbm>> -> memref<32x1000xf32, #tpu.memory_space<hbm>>
    %dma_wait3A_361 = arith.constant 32 : i32
    %dma_wait3A_362 = arith.constant 0 : i32
    %dma_wait3A_363 = tpu.memref_slice %arg5[%dma_wait3A_361, %dma_wait3A_362] : memref<64x1000xf32, #tpu.memory_space<vmem>> -> memref<32x1000xf32, #tpu.memory_space<vmem>>
    tpu.wait_dma2 semaphore(%arg7 : memref<!tpu.dma_semaphore, #tpu.memory_space<semaphore_mem>>) src(%dma_wait3A_363 : memref<32x1000xf32, #tpu.memory_space<vmem>>) dst(%dma_wait3A_360 : memref<32x1000xf32, #tpu.memory_space<hbm>>)
    %add3A_364 = arith.constant 32 : i32
    %add3A_365 = vector.broadcast %add3A_364 : i32 to vector<16xi32>
    %add3A_366 = arith.addi %add3A_365, %iota3A : vector<16xi32>
    %get3A_367 = arith.constant 224 : index
    %get3A_368 = tpu.vector_load %arg4[%get3A_367] {strides = array<i32>} : memref<512xi32, #tpu.memory_space<vmem>>, vector<16xi32>,
    tpu.vector_store_idx %arg5[%add3A_366, %get3A_368], %broadcast_in_dim3A_4 : memref<64x1000xf32, #tpu.memory_space<vmem>>[vector<16xi32>, vector<16xi32>], vector<16xf32>,
    %add3A_369 = arith.constant 48 : i32
    %add3A_370 = vector.broadcast %add3A_369 : i32 to vector<16xi32>
    %add3A_371 = arith.addi %add3A_370, %iota3A : vector<16xi32>
    %get3A_372 = arith.constant 240 : index
    %get3A_373 = tpu.vector_load %arg4[%get3A_372] {strides = array<i32>} : memref<512xi32, #tpu.memory_space<vmem>>, vector<16xi32>,
    tpu.vector_store_idx %arg5[%add3A_371, %get3A_373], %broadcast_in_dim3A_4 : memref<64x1000xf32, #tpu.memory_space<vmem>>[vector<16xi32>, vector<16xi32>], vector<16xf32>,
    %add3A_374 = arith.constant 32 : i32
    %add3A_375 = vector.broadcast %add3A_374 : i32 to vector<16xi32>
    %add3A_376 = arith.addi %add3A_375, %iota3A : vector<16xi32>
    %get3A_377 = arith.constant 288 : index
    %get3A_378 = tpu.vector_load %arg4[%get3A_377] {strides = array<i32>} : memref<512xi32, #tpu.memory_space<vmem>>, vector<16xi32>,
    tpu.vector_store_idx %arg5[%add3A_376, %get3A_378], %broadcast_in_dim3A_6 : memref<64x1000xf32, #tpu.memory_space<vmem>>[vector<16xi32>, vector<16xi32>], vector<16xf32>,
    %add3A_379 = arith.constant 48 : i32
    %add3A_380 = vector.broadcast %add3A_379 : i32 to vector<16xi32>
    %add3A_381 = arith.addi %add3A_380, %iota3A : vector<16xi32>
    %get3A_382 = arith.constant 304 : index
    %get3A_383 = tpu.vector_load %arg4[%get3A_382] {strides = array<i32>} : memref<512xi32, #tpu.memory_space<vmem>>, vector<16xi32>,
    tpu.vector_store_idx %arg5[%add3A_381, %get3A_383], %broadcast_in_dim3A_6 : memref<64x1000xf32, #tpu.memory_space<vmem>>[vector<16xi32>, vector<16xi32>], vector<16xf32>,
    %add3A_384 = arith.constant 288 : i32
    %add3A_385 = arith.addi %mul3A_2, %add3A_384 : i32
    %dma_start3A_386 = arith.constant 32 : i32
    %dma_start3A_387 = arith.constant 0 : i32
    %dma_start3A_388 = tpu.memref_slice %arg5[%dma_start3A_386, %dma_start3A_387] : memref<64x1000xf32, #tpu.memory_space<vmem>> -> memref<32x1000xf32, #tpu.memory_space<vmem>>
    %dma_start3A_389 = arith.constant 0 : i32
    %dma_start3A_390 = tpu.memref_slice %arg3[%add3A_385, %dma_start3A_389] : memref<16384x1000xf32, #tpu.memory_space<hbm>> -> memref<32x1000xf32, #tpu.memory_space<hbm>>
    %dma_start3A_391 = arith.constant 0 : i32
    %dma_start3A_392 = tpu.memref_slice %arg3[%add3A_385, %dma_start3A_391] : memref<16384x1000xf32, #tpu.memory_space<hbm>> -> memref<32x1000xf32, #tpu.memory_space<hbm>>
    %dma_start3A_393 = arith.constant 32 : i32
    %dma_start3A_394 = arith.constant 0 : i32
    %dma_start3A_395 = tpu.memref_slice %arg5[%dma_start3A_393, %dma_start3A_394] : memref<64x1000xf32, #tpu.memory_space<vmem>> -> memref<32x1000xf32, #tpu.memory_space<vmem>>
    tpu.enqueue_dma source(%dma_start3A_395 : memref<32x1000xf32, #tpu.memory_space<vmem>>) target(%dma_start3A_392 : memref<32x1000xf32, #tpu.memory_space<hbm>>) target_semaphore(%arg7 : memref<!tpu.dma_semaphore, #tpu.memory_space<semaphore_mem>>)
    %dma_wait3A_396 = arith.constant 0 : i32
    %dma_wait3A_397 = arith.constant 0 : i32
    %dma_wait3A_398 = tpu.memref_slice %arg5[%dma_wait3A_396, %dma_wait3A_397] : memref<64x1000xf32, #tpu.memory_space<vmem>> -> memref<32x1000xf32, #tpu.memory_space<vmem>>
    %dma_wait3A_399 = arith.constant 0 : i32
    %dma_wait3A_400 = tpu.memref_slice %arg3[%add3A_343, %dma_wait3A_399] : memref<16384x1000xf32, #tpu.memory_space<hbm>> -> memref<32x1000xf32, #tpu.memory_space<hbm>>
    %dma_wait3A_401 = arith.constant 0 : i32
    %dma_wait3A_402 = tpu.memref_slice %arg3[%add3A_343, %dma_wait3A_401] : memref<16384x1000xf32, #tpu.memory_space<hbm>> -> memref<32x1000xf32, #tpu.memory_space<hbm>>
    %dma_wait3A_403 = arith.constant 0 : i32
    %dma_wait3A_404 = arith.constant 0 : i32
    %dma_wait3A_405 = tpu.memref_slice %arg5[%dma_wait3A_403, %dma_wait3A_404] : memref<64x1000xf32, #tpu.memory_space<vmem>> -> memref<32x1000xf32, #tpu.memory_space<vmem>>
    tpu.wait_dma2 semaphore(%arg6 : memref<!tpu.dma_semaphore, #tpu.memory_space<semaphore_mem>>) src(%dma_wait3A_405 : memref<32x1000xf32, #tpu.memory_space<vmem>>) dst(%dma_wait3A_402 : memref<32x1000xf32, #tpu.memory_space<hbm>>)
    %add3A_406 = arith.constant 0 : i32
    %add3A_407 = vector.broadcast %add3A_406 : i32 to vector<16xi32>
    %add3A_408 = arith.addi %add3A_407, %iota3A : vector<16xi32>
    %get3A_409 = arith.constant 256 : index
    %get3A_410 = tpu.vector_load %arg4[%get3A_409] {strides = array<i32>} : memref<512xi32, #tpu.memory_space<vmem>>, vector<16xi32>,
    tpu.vector_store_idx %arg5[%add3A_408, %get3A_410], %broadcast_in_dim3A_4 : memref<64x1000xf32, #tpu.memory_space<vmem>>[vector<16xi32>, vector<16xi32>], vector<16xf32>,
    %add3A_411 = arith.constant 16 : i32
    %add3A_412 = vector.broadcast %add3A_411 : i32 to vector<16xi32>
    %add3A_413 = arith.addi %add3A_412, %iota3A : vector<16xi32>
    %get3A_414 = arith.constant 272 : index
    %get3A_415 = tpu.vector_load %arg4[%get3A_414] {strides = array<i32>} : memref<512xi32, #tpu.memory_space<vmem>>, vector<16xi32>,
    tpu.vector_store_idx %arg5[%add3A_413, %get3A_415], %broadcast_in_dim3A_4 : memref<64x1000xf32, #tpu.memory_space<vmem>>[vector<16xi32>, vector<16xi32>], vector<16xf32>,
    %add3A_416 = arith.constant 0 : i32
    %add3A_417 = vector.broadcast %add3A_416 : i32 to vector<16xi32>
    %add3A_418 = arith.addi %add3A_417, %iota3A : vector<16xi32>
    %get3A_419 = arith.constant 320 : index
    %get3A_420 = tpu.vector_load %arg4[%get3A_419] {strides = array<i32>} : memref<512xi32, #tpu.memory_space<vmem>>, vector<16xi32>,
    tpu.vector_store_idx %arg5[%add3A_418, %get3A_420], %broadcast_in_dim3A_6 : memref<64x1000xf32, #tpu.memory_space<vmem>>[vector<16xi32>, vector<16xi32>], vector<16xf32>,
    %add3A_421 = arith.constant 16 : i32
    %add3A_422 = vector.broadcast %add3A_421 : i32 to vector<16xi32>
    %add3A_423 = arith.addi %add3A_422, %iota3A : vector<16xi32>
    %get3A_424 = arith.constant 336 : index
    %get3A_425 = tpu.vector_load %arg4[%get3A_424] {strides = array<i32>} : memref<512xi32, #tpu.memory_space<vmem>>, vector<16xi32>,
    tpu.vector_store_idx %arg5[%add3A_423, %get3A_425], %broadcast_in_dim3A_6 : memref<64x1000xf32, #tpu.memory_space<vmem>>[vector<16xi32>, vector<16xi32>], vector<16xf32>,
    %add3A_426 = arith.constant 320 : i32
    %add3A_427 = arith.addi %mul3A_2, %add3A_426 : i32
    %dma_start3A_428 = arith.constant 0 : i32
    %dma_start3A_429 = arith.constant 0 : i32
    %dma_start3A_430 = tpu.memref_slice %arg5[%dma_start3A_428, %dma_start3A_429] : memref<64x1000xf32, #tpu.memory_space<vmem>> -> memref<32x1000xf32, #tpu.memory_space<vmem>>
    %dma_start3A_431 = arith.constant 0 : i32
    %dma_start3A_432 = tpu.memref_slice %arg3[%add3A_427, %dma_start3A_431] : memref<16384x1000xf32, #tpu.memory_space<hbm>> -> memref<32x1000xf32, #tpu.memory_space<hbm>>
    %dma_start3A_433 = arith.constant 0 : i32
    %dma_start3A_434 = tpu.memref_slice %arg3[%add3A_427, %dma_start3A_433] : memref<16384x1000xf32, #tpu.memory_space<hbm>> -> memref<32x1000xf32, #tpu.memory_space<hbm>>
    %dma_start3A_435 = arith.constant 0 : i32
    %dma_start3A_436 = arith.constant 0 : i32
    %dma_start3A_437 = tpu.memref_slice %arg5[%dma_start3A_435, %dma_start3A_436] : memref<64x1000xf32, #tpu.memory_space<vmem>> -> memref<32x1000xf32, #tpu.memory_space<vmem>>
    tpu.enqueue_dma source(%dma_start3A_437 : memref<32x1000xf32, #tpu.memory_space<vmem>>) target(%dma_start3A_434 : memref<32x1000xf32, #tpu.memory_space<hbm>>) target_semaphore(%arg6 : memref<!tpu.dma_semaphore, #tpu.memory_space<semaphore_mem>>)
    %dma_wait3A_438 = arith.constant 32 : i32
    %dma_wait3A_439 = arith.constant 0 : i32
    %dma_wait3A_440 = tpu.memref_slice %arg5[%dma_wait3A_438, %dma_wait3A_439] : memref<64x1000xf32, #tpu.memory_space<vmem>> -> memref<32x1000xf32, #tpu.memory_space<vmem>>
    %dma_wait3A_441 = arith.constant 0 : i32
    %dma_wait3A_442 = tpu.memref_slice %arg3[%add3A_385, %dma_wait3A_441] : memref<16384x1000xf32, #tpu.memory_space<hbm>> -> memref<32x1000xf32, #tpu.memory_space<hbm>>
    %dma_wait3A_443 = arith.constant 0 : i32
    %dma_wait3A_444 = tpu.memref_slice %arg3[%add3A_385, %dma_wait3A_443] : memref<16384x1000xf32, #tpu.memory_space<hbm>> -> memref<32x1000xf32, #tpu.memory_space<hbm>>
    %dma_wait3A_445 = arith.constant 32 : i32
    %dma_wait3A_446 = arith.constant 0 : i32
    %dma_wait3A_447 = tpu.memref_slice %arg5[%dma_wait3A_445, %dma_wait3A_446] : memref<64x1000xf32, #tpu.memory_space<vmem>> -> memref<32x1000xf32, #tpu.memory_space<vmem>>
    tpu.wait_dma2 semaphore(%arg7 : memref<!tpu.dma_semaphore, #tpu.memory_space<semaphore_mem>>) src(%dma_wait3A_447 : memref<32x1000xf32, #tpu.memory_space<vmem>>) dst(%dma_wait3A_444 : memref<32x1000xf32, #tpu.memory_space<hbm>>)
    %add3A_448 = arith.constant 32 : i32
    %add3A_449 = vector.broadcast %add3A_448 : i32 to vector<16xi32>
    %add3A_450 = arith.addi %add3A_449, %iota3A : vector<16xi32>
    %get3A_451 = arith.constant 288 : index
    %get3A_452 = tpu.vector_load %arg4[%get3A_451] {strides = array<i32>} : memref<512xi32, #tpu.memory_space<vmem>>, vector<16xi32>,
    tpu.vector_store_idx %arg5[%add3A_450, %get3A_452], %broadcast_in_dim3A_4 : memref<64x1000xf32, #tpu.memory_space<vmem>>[vector<16xi32>, vector<16xi32>], vector<16xf32>,
    %add3A_453 = arith.constant 48 : i32
    %add3A_454 = vector.broadcast %add3A_453 : i32 to vector<16xi32>
    %add3A_455 = arith.addi %add3A_454, %iota3A : vector<16xi32>
    %get3A_456 = arith.constant 304 : index
    %get3A_457 = tpu.vector_load %arg4[%get3A_456] {strides = array<i32>} : memref<512xi32, #tpu.memory_space<vmem>>, vector<16xi32>,
    tpu.vector_store_idx %arg5[%add3A_455, %get3A_457], %broadcast_in_dim3A_4 : memref<64x1000xf32, #tpu.memory_space<vmem>>[vector<16xi32>, vector<16xi32>], vector<16xf32>,
    %add3A_458 = arith.constant 32 : i32
    %add3A_459 = vector.broadcast %add3A_458 : i32 to vector<16xi32>
    %add3A_460 = arith.addi %add3A_459, %iota3A : vector<16xi32>
    %get3A_461 = arith.constant 352 : index
    %get3A_462 = tpu.vector_load %arg4[%get3A_461] {strides = array<i32>} : memref<512xi32, #tpu.memory_space<vmem>>, vector<16xi32>,
    tpu.vector_store_idx %arg5[%add3A_460, %get3A_462], %broadcast_in_dim3A_6 : memref<64x1000xf32, #tpu.memory_space<vmem>>[vector<16xi32>, vector<16xi32>], vector<16xf32>,
    %add3A_463 = arith.constant 48 : i32
    %add3A_464 = vector.broadcast %add3A_463 : i32 to vector<16xi32>
    %add3A_465 = arith.addi %add3A_464, %iota3A : vector<16xi32>
    %get3A_466 = arith.constant 368 : index
    %get3A_467 = tpu.vector_load %arg4[%get3A_466] {strides = array<i32>} : memref<512xi32, #tpu.memory_space<vmem>>, vector<16xi32>,
    tpu.vector_store_idx %arg5[%add3A_465, %get3A_467], %broadcast_in_dim3A_6 : memref<64x1000xf32, #tpu.memory_space<vmem>>[vector<16xi32>, vector<16xi32>], vector<16xf32>,
    %add3A_468 = arith.constant 352 : i32
    %add3A_469 = arith.addi %mul3A_2, %add3A_468 : i32
    %dma_start3A_470 = arith.constant 32 : i32
    %dma_start3A_471 = arith.constant 0 : i32
    %dma_start3A_472 = tpu.memref_slice %arg5[%dma_start3A_470, %dma_start3A_471] : memref<64x1000xf32, #tpu.memory_space<vmem>> -> memref<32x1000xf32, #tpu.memory_space<vmem>>
    %dma_start3A_473 = arith.constant 0 : i32
    %dma_start3A_474 = tpu.memref_slice %arg3[%add3A_469, %dma_start3A_473] : memref<16384x1000xf32, #tpu.memory_space<hbm>> -> memref<32x1000xf32, #tpu.memory_space<hbm>>
    %dma_start3A_475 = arith.constant 0 : i32
    %dma_start3A_476 = tpu.memref_slice %arg3[%add3A_469, %dma_start3A_475] : memref<16384x1000xf32, #tpu.memory_space<hbm>> -> memref<32x1000xf32, #tpu.memory_space<hbm>>
    %dma_start3A_477 = arith.constant 32 : i32
    %dma_start3A_478 = arith.constant 0 : i32
    %dma_start3A_479 = tpu.memref_slice %arg5[%dma_start3A_477, %dma_start3A_478] : memref<64x1000xf32, #tpu.memory_space<vmem>> -> memref<32x1000xf32, #tpu.memory_space<vmem>>
    tpu.enqueue_dma source(%dma_start3A_479 : memref<32x1000xf32, #tpu.memory_space<vmem>>) target(%dma_start3A_476 : memref<32x1000xf32, #tpu.memory_space<hbm>>) target_semaphore(%arg7 : memref<!tpu.dma_semaphore, #tpu.memory_space<semaphore_mem>>)
    %dma_wait3A_480 = arith.constant 0 : i32
    %dma_wait3A_481 = arith.constant 0 : i32
    %dma_wait3A_482 = tpu.memref_slice %arg5[%dma_wait3A_480, %dma_wait3A_481] : memref<64x1000xf32, #tpu.memory_space<vmem>> -> memref<32x1000xf32, #tpu.memory_space<vmem>>
    %dma_wait3A_483 = arith.constant 0 : i32
    %dma_wait3A_484 = tpu.memref_slice %arg3[%add3A_427, %dma_wait3A_483] : memref<16384x1000xf32, #tpu.memory_space<hbm>> -> memref<32x1000xf32, #tpu.memory_space<hbm>>
    %dma_wait3A_485 = arith.constant 0 : i32
    %dma_wait3A_486 = tpu.memref_slice %arg3[%add3A_427, %dma_wait3A_485] : memref<16384x1000xf32, #tpu.memory_space<hbm>> -> memref<32x1000xf32, #tpu.memory_space<hbm>>
    %dma_wait3A_487 = arith.constant 0 : i32
    %dma_wait3A_488 = arith.constant 0 : i32
    %dma_wait3A_489 = tpu.memref_slice %arg5[%dma_wait3A_487, %dma_wait3A_488] : memref<64x1000xf32, #tpu.memory_space<vmem>> -> memref<32x1000xf32, #tpu.memory_space<vmem>>
    tpu.wait_dma2 semaphore(%arg6 : memref<!tpu.dma_semaphore, #tpu.memory_space<semaphore_mem>>) src(%dma_wait3A_489 : memref<32x1000xf32, #tpu.memory_space<vmem>>) dst(%dma_wait3A_486 : memref<32x1000xf32, #tpu.memory_space<hbm>>)
    %add3A_490 = arith.constant 0 : i32
    %add3A_491 = vector.broadcast %add3A_490 : i32 to vector<16xi32>
    %add3A_492 = arith.addi %add3A_491, %iota3A : vector<16xi32>
    %get3A_493 = arith.constant 320 : index
    %get3A_494 = tpu.vector_load %arg4[%get3A_493] {strides = array<i32>} : memref<512xi32, #tpu.memory_space<vmem>>, vector<16xi32>,
    tpu.vector_store_idx %arg5[%add3A_492, %get3A_494], %broadcast_in_dim3A_4 : memref<64x1000xf32, #tpu.memory_space<vmem>>[vector<16xi32>, vector<16xi32>], vector<16xf32>,
    %add3A_495 = arith.constant 16 : i32
    %add3A_496 = vector.broadcast %add3A_495 : i32 to vector<16xi32>
    %add3A_497 = arith.addi %add3A_496, %iota3A : vector<16xi32>
    %get3A_498 = arith.constant 336 : index
    %get3A_499 = tpu.vector_load %arg4[%get3A_498] {strides = array<i32>} : memref<512xi32, #tpu.memory_space<vmem>>, vector<16xi32>,
    tpu.vector_store_idx %arg5[%add3A_497, %get3A_499], %broadcast_in_dim3A_4 : memref<64x1000xf32, #tpu.memory_space<vmem>>[vector<16xi32>, vector<16xi32>], vector<16xf32>,
    %add3A_500 = arith.constant 0 : i32
    %add3A_501 = vector.broadcast %add3A_500 : i32 to vector<16xi32>
    %add3A_502 = arith.addi %add3A_501, %iota3A : vector<16xi32>
    %get3A_503 = arith.constant 384 : index
    %get3A_504 = tpu.vector_load %arg4[%get3A_503] {strides = array<i32>} : memref<512xi32, #tpu.memory_space<vmem>>, vector<16xi32>,
    tpu.vector_store_idx %arg5[%add3A_502, %get3A_504], %broadcast_in_dim3A_6 : memref<64x1000xf32, #tpu.memory_space<vmem>>[vector<16xi32>, vector<16xi32>], vector<16xf32>,
    %add3A_505 = arith.constant 16 : i32
    %add3A_506 = vector.broadcast %add3A_505 : i32 to vector<16xi32>
    %add3A_507 = arith.addi %add3A_506, %iota3A : vector<16xi32>
    %get3A_508 = arith.constant 400 : index
    %get3A_509 = tpu.vector_load %arg4[%get3A_508] {strides = array<i32>} : memref<512xi32, #tpu.memory_space<vmem>>, vector<16xi32>,
    tpu.vector_store_idx %arg5[%add3A_507, %get3A_509], %broadcast_in_dim3A_6 : memref<64x1000xf32, #tpu.memory_space<vmem>>[vector<16xi32>, vector<16xi32>], vector<16xf32>,
    %add3A_510 = arith.constant 384 : i32
    %add3A_511 = arith.addi %mul3A_2, %add3A_510 : i32
    %dma_start3A_512 = arith.constant 0 : i32
    %dma_start3A_513 = arith.constant 0 : i32
    %dma_start3A_514 = tpu.memref_slice %arg5[%dma_start3A_512, %dma_start3A_513] : memref<64x1000xf32, #tpu.memory_space<vmem>> -> memref<32x1000xf32, #tpu.memory_space<vmem>>
    %dma_start3A_515 = arith.constant 0 : i32
    %dma_start3A_516 = tpu.memref_slice %arg3[%add3A_511, %dma_start3A_515] : memref<16384x1000xf32, #tpu.memory_space<hbm>> -> memref<32x1000xf32, #tpu.memory_space<hbm>>
    %dma_start3A_517 = arith.constant 0 : i32
    %dma_start3A_518 = tpu.memref_slice %arg3[%add3A_511, %dma_start3A_517] : memref<16384x1000xf32, #tpu.memory_space<hbm>> -> memref<32x1000xf32, #tpu.memory_space<hbm>>
    %dma_start3A_519 = arith.constant 0 : i32
    %dma_start3A_520 = arith.constant 0 : i32
    %dma_start3A_521 = tpu.memref_slice %arg5[%dma_start3A_519, %dma_start3A_520] : memref<64x1000xf32, #tpu.memory_space<vmem>> -> memref<32x1000xf32, #tpu.memory_space<vmem>>
    tpu.enqueue_dma source(%dma_start3A_521 : memref<32x1000xf32, #tpu.memory_space<vmem>>) target(%dma_start3A_518 : memref<32x1000xf32, #tpu.memory_space<hbm>>) target_semaphore(%arg6 : memref<!tpu.dma_semaphore, #tpu.memory_space<semaphore_mem>>)
    %dma_wait3A_522 = arith.constant 32 : i32
    %dma_wait3A_523 = arith.constant 0 : i32
    %dma_wait3A_524 = tpu.memref_slice %arg5[%dma_wait3A_522, %dma_wait3A_523] : memref<64x1000xf32, #tpu.memory_space<vmem>> -> memref<32x1000xf32, #tpu.memory_space<vmem>>
    %dma_wait3A_525 = arith.constant 0 : i32
    %dma_wait3A_526 = tpu.memref_slice %arg3[%add3A_469, %dma_wait3A_525] : memref<16384x1000xf32, #tpu.memory_space<hbm>> -> memref<32x1000xf32, #tpu.memory_space<hbm>>
    %dma_wait3A_527 = arith.constant 0 : i32
    %dma_wait3A_528 = tpu.memref_slice %arg3[%add3A_469, %dma_wait3A_527] : memref<16384x1000xf32, #tpu.memory_space<hbm>> -> memref<32x1000xf32, #tpu.memory_space<hbm>>
    %dma_wait3A_529 = arith.constant 32 : i32
    %dma_wait3A_530 = arith.constant 0 : i32
    %dma_wait3A_531 = tpu.memref_slice %arg5[%dma_wait3A_529, %dma_wait3A_530] : memref<64x1000xf32, #tpu.memory_space<vmem>> -> memref<32x1000xf32, #tpu.memory_space<vmem>>
    tpu.wait_dma2 semaphore(%arg7 : memref<!tpu.dma_semaphore, #tpu.memory_space<semaphore_mem>>) src(%dma_wait3A_531 : memref<32x1000xf32, #tpu.memory_space<vmem>>) dst(%dma_wait3A_528 : memref<32x1000xf32, #tpu.memory_space<hbm>>)
    %add3A_532 = arith.constant 32 : i32
    %add3A_533 = vector.broadcast %add3A_532 : i32 to vector<16xi32>
    %add3A_534 = arith.addi %add3A_533, %iota3A : vector<16xi32>
    %get3A_535 = arith.constant 352 : index
    %get3A_536 = tpu.vector_load %arg4[%get3A_535] {strides = array<i32>} : memref<512xi32, #tpu.memory_space<vmem>>, vector<16xi32>,
    tpu.vector_store_idx %arg5[%add3A_534, %get3A_536], %broadcast_in_dim3A_4 : memref<64x1000xf32, #tpu.memory_space<vmem>>[vector<16xi32>, vector<16xi32>], vector<16xf32>,
    %add3A_537 = arith.constant 48 : i32
    %add3A_538 = vector.broadcast %add3A_537 : i32 to vector<16xi32>
    %add3A_539 = arith.addi %add3A_538, %iota3A : vector<16xi32>
    %get3A_540 = arith.constant 368 : index
    %get3A_541 = tpu.vector_load %arg4[%get3A_540] {strides = array<i32>} : memref<512xi32, #tpu.memory_space<vmem>>, vector<16xi32>,
    tpu.vector_store_idx %arg5[%add3A_539, %get3A_541], %broadcast_in_dim3A_4 : memref<64x1000xf32, #tpu.memory_space<vmem>>[vector<16xi32>, vector<16xi32>], vector<16xf32>,
    %add3A_542 = arith.constant 32 : i32
    %add3A_543 = vector.broadcast %add3A_542 : i32 to vector<16xi32>
    %add3A_544 = arith.addi %add3A_543, %iota3A : vector<16xi32>
    %get3A_545 = arith.constant 416 : index
    %get3A_546 = tpu.vector_load %arg4[%get3A_545] {strides = array<i32>} : memref<512xi32, #tpu.memory_space<vmem>>, vector<16xi32>,
    tpu.vector_store_idx %arg5[%add3A_544, %get3A_546], %broadcast_in_dim3A_6 : memref<64x1000xf32, #tpu.memory_space<vmem>>[vector<16xi32>, vector<16xi32>], vector<16xf32>,
    %add3A_547 = arith.constant 48 : i32
    %add3A_548 = vector.broadcast %add3A_547 : i32 to vector<16xi32>
    %add3A_549 = arith.addi %add3A_548, %iota3A : vector<16xi32>
    %get3A_550 = arith.constant 432 : index
    %get3A_551 = tpu.vector_load %arg4[%get3A_550] {strides = array<i32>} : memref<512xi32, #tpu.memory_space<vmem>>, vector<16xi32>,
    tpu.vector_store_idx %arg5[%add3A_549, %get3A_551], %broadcast_in_dim3A_6 : memref<64x1000xf32, #tpu.memory_space<vmem>>[vector<16xi32>, vector<16xi32>], vector<16xf32>,
    %add3A_552 = arith.constant 416 : i32
    %add3A_553 = arith.addi %mul3A_2, %add3A_552 : i32
    %dma_start3A_554 = arith.constant 32 : i32
    %dma_start3A_555 = arith.constant 0 : i32
    %dma_start3A_556 = tpu.memref_slice %arg5[%dma_start3A_554, %dma_start3A_555] : memref<64x1000xf32, #tpu.memory_space<vmem>> -> memref<32x1000xf32, #tpu.memory_space<vmem>>
    %dma_start3A_557 = arith.constant 0 : i32
    %dma_start3A_558 = tpu.memref_slice %arg3[%add3A_553, %dma_start3A_557] : memref<16384x1000xf32, #tpu.memory_space<hbm>> -> memref<32x1000xf32, #tpu.memory_space<hbm>>
    %dma_start3A_559 = arith.constant 0 : i32
    %dma_start3A_560 = tpu.memref_slice %arg3[%add3A_553, %dma_start3A_559] : memref<16384x1000xf32, #tpu.memory_space<hbm>> -> memref<32x1000xf32, #tpu.memory_space<hbm>>
    %dma_start3A_561 = arith.constant 32 : i32
    %dma_start3A_562 = arith.constant 0 : i32
    %dma_start3A_563 = tpu.memref_slice %arg5[%dma_start3A_561, %dma_start3A_562] : memref<64x1000xf32, #tpu.memory_space<vmem>> -> memref<32x1000xf32, #tpu.memory_space<vmem>>
    tpu.enqueue_dma source(%dma_start3A_563 : memref<32x1000xf32, #tpu.memory_space<vmem>>) target(%dma_start3A_560 : memref<32x1000xf32, #tpu.memory_space<hbm>>) target_semaphore(%arg7 : memref<!tpu.dma_semaphore, #tpu.memory_space<semaphore_mem>>)
    %dma_wait3A_564 = arith.constant 0 : i32
    %dma_wait3A_565 = arith.constant 0 : i32
    %dma_wait3A_566 = tpu.memref_slice %arg5[%dma_wait3A_564, %dma_wait3A_565] : memref<64x1000xf32, #tpu.memory_space<vmem>> -> memref<32x1000xf32, #tpu.memory_space<vmem>>
    %dma_wait3A_567 = arith.constant 0 : i32
    %dma_wait3A_568 = tpu.memref_slice %arg3[%add3A_511, %dma_wait3A_567] : memref<16384x1000xf32, #tpu.memory_space<hbm>> -> memref<32x1000xf32, #tpu.memory_space<hbm>>
    %dma_wait3A_569 = arith.constant 0 : i32
    %dma_wait3A_570 = tpu.memref_slice %arg3[%add3A_511, %dma_wait3A_569] : memref<16384x1000xf32, #tpu.memory_space<hbm>> -> memref<32x1000xf32, #tpu.memory_space<hbm>>
    %dma_wait3A_571 = arith.constant 0 : i32
    %dma_wait3A_572 = arith.constant 0 : i32
    %dma_wait3A_573 = tpu.memref_slice %arg5[%dma_wait3A_571, %dma_wait3A_572] : memref<64x1000xf32, #tpu.memory_space<vmem>> -> memref<32x1000xf32, #tpu.memory_space<vmem>>
    tpu.wait_dma2 semaphore(%arg6 : memref<!tpu.dma_semaphore, #tpu.memory_space<semaphore_mem>>) src(%dma_wait3A_573 : memref<32x1000xf32, #tpu.memory_space<vmem>>) dst(%dma_wait3A_570 : memref<32x1000xf32, #tpu.memory_space<hbm>>)
    %add3A_574 = arith.constant 0 : i32
    %add3A_575 = vector.broadcast %add3A_574 : i32 to vector<16xi32>
    %add3A_576 = arith.addi %add3A_575, %iota3A : vector<16xi32>
    %get3A_577 = arith.constant 384 : index
    %get3A_578 = tpu.vector_load %arg4[%get3A_577] {strides = array<i32>} : memref<512xi32, #tpu.memory_space<vmem>>, vector<16xi32>,
    tpu.vector_store_idx %arg5[%add3A_576, %get3A_578], %broadcast_in_dim3A_4 : memref<64x1000xf32, #tpu.memory_space<vmem>>[vector<16xi32>, vector<16xi32>], vector<16xf32>,
    %add3A_579 = arith.constant 16 : i32
    %add3A_580 = vector.broadcast %add3A_579 : i32 to vector<16xi32>
    %add3A_581 = arith.addi %add3A_580, %iota3A : vector<16xi32>
    %get3A_582 = arith.constant 400 : index
    %get3A_583 = tpu.vector_load %arg4[%get3A_582] {strides = array<i32>} : memref<512xi32, #tpu.memory_space<vmem>>, vector<16xi32>,
    tpu.vector_store_idx %arg5[%add3A_581, %get3A_583], %broadcast_in_dim3A_4 : memref<64x1000xf32, #tpu.memory_space<vmem>>[vector<16xi32>, vector<16xi32>], vector<16xf32>,
    %add3A_584 = arith.constant 0 : i32
    %add3A_585 = vector.broadcast %add3A_584 : i32 to vector<16xi32>
    %add3A_586 = arith.addi %add3A_585, %iota3A : vector<16xi32>
    %get3A_587 = arith.constant 448 : index
    %get3A_588 = tpu.vector_load %arg4[%get3A_587] {strides = array<i32>} : memref<512xi32, #tpu.memory_space<vmem>>, vector<16xi32>,
    tpu.vector_store_idx %arg5[%add3A_586, %get3A_588], %broadcast_in_dim3A_6 : memref<64x1000xf32, #tpu.memory_space<vmem>>[vector<16xi32>, vector<16xi32>], vector<16xf32>,
    %add3A_589 = arith.constant 16 : i32
    %add3A_590 = vector.broadcast %add3A_589 : i32 to vector<16xi32>
    %add3A_591 = arith.addi %add3A_590, %iota3A : vector<16xi32>
    %get3A_592 = arith.constant 464 : index
    %get3A_593 = tpu.vector_load %arg4[%get3A_592] {strides = array<i32>} : memref<512xi32, #tpu.memory_space<vmem>>, vector<16xi32>,
    tpu.vector_store_idx %arg5[%add3A_591, %get3A_593], %broadcast_in_dim3A_6 : memref<64x1000xf32, #tpu.memory_space<vmem>>[vector<16xi32>, vector<16xi32>], vector<16xf32>,
    %add3A_594 = arith.constant 448 : i32
    %add3A_595 = arith.addi %mul3A_2, %add3A_594 : i32
    %dma_start3A_596 = arith.constant 0 : i32
    %dma_start3A_597 = arith.constant 0 : i32
    %dma_start3A_598 = tpu.memref_slice %arg5[%dma_start3A_596, %dma_start3A_597] : memref<64x1000xf32, #tpu.memory_space<vmem>> -> memref<32x1000xf32, #tpu.memory_space<vmem>>
    %dma_start3A_599 = arith.constant 0 : i32
    %dma_start3A_600 = tpu.memref_slice %arg3[%add3A_595, %dma_start3A_599] : memref<16384x1000xf32, #tpu.memory_space<hbm>> -> memref<32x1000xf32, #tpu.memory_space<hbm>>
    %dma_start3A_601 = arith.constant 0 : i32
    %dma_start3A_602 = tpu.memref_slice %arg3[%add3A_595, %dma_start3A_601] : memref<16384x1000xf32, #tpu.memory_space<hbm>> -> memref<32x1000xf32, #tpu.memory_space<hbm>>
    %dma_start3A_603 = arith.constant 0 : i32
    %dma_start3A_604 = arith.constant 0 : i32
    %dma_start3A_605 = tpu.memref_slice %arg5[%dma_start3A_603, %dma_start3A_604] : memref<64x1000xf32, #tpu.memory_space<vmem>> -> memref<32x1000xf32, #tpu.memory_space<vmem>>
    tpu.enqueue_dma source(%dma_start3A_605 : memref<32x1000xf32, #tpu.memory_space<vmem>>) target(%dma_start3A_602 : memref<32x1000xf32, #tpu.memory_space<hbm>>) target_semaphore(%arg6 : memref<!tpu.dma_semaphore, #tpu.memory_space<semaphore_mem>>)
    %dma_wait3A_606 = arith.constant 32 : i32
    %dma_wait3A_607 = arith.constant 0 : i32
    %dma_wait3A_608 = tpu.memref_slice %arg5[%dma_wait3A_606, %dma_wait3A_607] : memref<64x1000xf32, #tpu.memory_space<vmem>> -> memref<32x1000xf32, #tpu.memory_space<vmem>>
    %dma_wait3A_609 = arith.constant 0 : i32
    %dma_wait3A_610 = tpu.memref_slice %arg3[%add3A_553, %dma_wait3A_609] : memref<16384x1000xf32, #tpu.memory_space<hbm>> -> memref<32x1000xf32, #tpu.memory_space<hbm>>
    %dma_wait3A_611 = arith.constant 0 : i32
    %dma_wait3A_612 = tpu.memref_slice %arg3[%add3A_553, %dma_wait3A_611] : memref<16384x1000xf32, #tpu.memory_space<hbm>> -> memref<32x1000xf32, #tpu.memory_space<hbm>>
    %dma_wait3A_613 = arith.constant 32 : i32
    %dma_wait3A_614 = arith.constant 0 : i32
    %dma_wait3A_615 = tpu.memref_slice %arg5[%dma_wait3A_613, %dma_wait3A_614] : memref<64x1000xf32, #tpu.memory_space<vmem>> -> memref<32x1000xf32, #tpu.memory_space<vmem>>
    tpu.wait_dma2 semaphore(%arg7 : memref<!tpu.dma_semaphore, #tpu.memory_space<semaphore_mem>>) src(%dma_wait3A_615 : memref<32x1000xf32, #tpu.memory_space<vmem>>) dst(%dma_wait3A_612 : memref<32x1000xf32, #tpu.memory_space<hbm>>)
    %add3A_616 = arith.constant 32 : i32
    %add3A_617 = vector.broadcast %add3A_616 : i32 to vector<16xi32>
    %add3A_618 = arith.addi %add3A_617, %iota3A : vector<16xi32>
    %get3A_619 = arith.constant 416 : index
    %get3A_620 = tpu.vector_load %arg4[%get3A_619] {strides = array<i32>} : memref<512xi32, #tpu.memory_space<vmem>>, vector<16xi32>,
    tpu.vector_store_idx %arg5[%add3A_618, %get3A_620], %broadcast_in_dim3A_4 : memref<64x1000xf32, #tpu.memory_space<vmem>>[vector<16xi32>, vector<16xi32>], vector<16xf32>,
    %add3A_621 = arith.constant 48 : i32
    %add3A_622 = vector.broadcast %add3A_621 : i32 to vector<16xi32>
    %add3A_623 = arith.addi %add3A_622, %iota3A : vector<16xi32>
    %get3A_624 = arith.constant 432 : index
    %get3A_625 = tpu.vector_load %arg4[%get3A_624] {strides = array<i32>} : memref<512xi32, #tpu.memory_space<vmem>>, vector<16xi32>,
    tpu.vector_store_idx %arg5[%add3A_623, %get3A_625], %broadcast_in_dim3A_4 : memref<64x1000xf32, #tpu.memory_space<vmem>>[vector<16xi32>, vector<16xi32>], vector<16xf32>,
    %add3A_626 = arith.constant 32 : i32
    %add3A_627 = vector.broadcast %add3A_626 : i32 to vector<16xi32>
    %add3A_628 = arith.addi %add3A_627, %iota3A : vector<16xi32>
    %get3A_629 = arith.constant 480 : index
    %get3A_630 = tpu.vector_load %arg4[%get3A_629] {strides = array<i32>} : memref<512xi32, #tpu.memory_space<vmem>>, vector<16xi32>,
    tpu.vector_store_idx %arg5[%add3A_628, %get3A_630], %broadcast_in_dim3A_6 : memref<64x1000xf32, #tpu.memory_space<vmem>>[vector<16xi32>, vector<16xi32>], vector<16xf32>,
    %add3A_631 = arith.constant 48 : i32
    %add3A_632 = vector.broadcast %add3A_631 : i32 to vector<16xi32>
    %add3A_633 = arith.addi %add3A_632, %iota3A : vector<16xi32>
    %get3A_634 = arith.constant 496 : index
    %get3A_635 = tpu.vector_load %arg4[%get3A_634] {strides = array<i32>} : memref<512xi32, #tpu.memory_space<vmem>>, vector<16xi32>,
    tpu.vector_store_idx %arg5[%add3A_633, %get3A_635], %broadcast_in_dim3A_6 : memref<64x1000xf32, #tpu.memory_space<vmem>>[vector<16xi32>, vector<16xi32>], vector<16xf32>,
    %add3A_636 = arith.constant 480 : i32
    %add3A_637 = arith.addi %mul3A_2, %add3A_636 : i32
    %dma_start3A_638 = arith.constant 32 : i32
    %dma_start3A_639 = arith.constant 0 : i32
    %dma_start3A_640 = tpu.memref_slice %arg5[%dma_start3A_638, %dma_start3A_639] : memref<64x1000xf32, #tpu.memory_space<vmem>> -> memref<32x1000xf32, #tpu.memory_space<vmem>>
    %dma_start3A_641 = arith.constant 0 : i32
    %dma_start3A_642 = tpu.memref_slice %arg3[%add3A_637, %dma_start3A_641] : memref<16384x1000xf32, #tpu.memory_space<hbm>> -> memref<32x1000xf32, #tpu.memory_space<hbm>>
    %dma_start3A_643 = arith.constant 0 : i32
    %dma_start3A_644 = tpu.memref_slice %arg3[%add3A_637, %dma_start3A_643] : memref<16384x1000xf32, #tpu.memory_space<hbm>> -> memref<32x1000xf32, #tpu.memory_space<hbm>>
    %dma_start3A_645 = arith.constant 32 : i32
    %dma_start3A_646 = arith.constant 0 : i32
    %dma_start3A_647 = tpu.memref_slice %arg5[%dma_start3A_645, %dma_start3A_646] : memref<64x1000xf32, #tpu.memory_space<vmem>> -> memref<32x1000xf32, #tpu.memory_space<vmem>>
    tpu.enqueue_dma source(%dma_start3A_647 : memref<32x1000xf32, #tpu.memory_space<vmem>>) target(%dma_start3A_644 : memref<32x1000xf32, #tpu.memory_space<hbm>>) target_semaphore(%arg7 : memref<!tpu.dma_semaphore, #tpu.memory_space<semaphore_mem>>)
    %dma_wait3A_648 = arith.constant 0 : i32
    %dma_wait3A_649 = arith.constant 0 : i32
    %dma_wait3A_650 = tpu.memref_slice %arg5[%dma_wait3A_648, %dma_wait3A_649] : memref<64x1000xf32, #tpu.memory_space<vmem>> -> memref<32x1000xf32, #tpu.memory_space<vmem>>
    %dma_wait3A_651 = arith.constant 0 : i32
    %dma_wait3A_652 = tpu.memref_slice %arg3[%add3A_595, %dma_wait3A_651] : memref<16384x1000xf32, #tpu.memory_space<hbm>> -> memref<32x1000xf32, #tpu.memory_space<hbm>>
    %dma_wait3A_653 = arith.constant 0 : i32
    %dma_wait3A_654 = tpu.memref_slice %arg3[%add3A_595, %dma_wait3A_653] : memref<16384x1000xf32, #tpu.memory_space<hbm>> -> memref<32x1000xf32, #tpu.memory_space<hbm>>
    %dma_wait3A_655 = arith.constant 0 : i32
    %dma_wait3A_656 = arith.constant 0 : i32
    %dma_wait3A_657 = tpu.memref_slice %arg5[%dma_wait3A_655, %dma_wait3A_656] : memref<64x1000xf32, #tpu.memory_space<vmem>> -> memref<32x1000xf32, #tpu.memory_space<vmem>>
    tpu.wait_dma2 semaphore(%arg6 : memref<!tpu.dma_semaphore, #tpu.memory_space<semaphore_mem>>) src(%dma_wait3A_657 : memref<32x1000xf32, #tpu.memory_space<vmem>>) dst(%dma_wait3A_654 : memref<32x1000xf32, #tpu.memory_space<hbm>>)
    %dma_wait3A_658 = arith.constant 32 : i32
    %dma_wait3A_659 = arith.constant 0 : i32
    %dma_wait3A_660 = tpu.memref_slice %arg5[%dma_wait3A_658, %dma_wait3A_659] : memref<64x1000xf32, #tpu.memory_space<vmem>> -> memref<32x1000xf32, #tpu.memory_space<vmem>>
    %dma_wait3A_661 = arith.constant 0 : i32
    %dma_wait3A_662 = tpu.memref_slice %arg3[%add3A_637, %dma_wait3A_661] : memref<16384x1000xf32, #tpu.memory_space<hbm>> -> memref<32x1000xf32, #tpu.memory_space<hbm>>
    %dma_wait3A_663 = arith.constant 0 : i32
    %dma_wait3A_664 = tpu.memref_slice %arg3[%add3A_637, %dma_wait3A_663] : memref<16384x1000xf32, #tpu.memory_space<hbm>> -> memref<32x1000xf32, #tpu.memory_space<hbm>>
    %dma_wait3A_665 = arith.constant 32 : i32
    %dma_wait3A_666 = arith.constant 0 : i32
    %dma_wait3A_667 = tpu.memref_slice %arg5[%dma_wait3A_665, %dma_wait3A_666] : memref<64x1000xf32, #tpu.memory_space<vmem>> -> memref<32x1000xf32, #tpu.memory_space<vmem>>
    tpu.wait_dma2 semaphore(%arg7 : memref<!tpu.dma_semaphore, #tpu.memory_space<semaphore_mem>>) src(%dma_wait3A_667 : memref<32x1000xf32, #tpu.memory_space<vmem>>) dst(%dma_wait3A_664 : memref<32x1000xf32, #tpu.memory_space<hbm>>)
    return
  }
}

</mosaic_0001>

<sc_bundles>
// kernel: kernel.3.cloned.1.call-start
scs
__scs_entry_jumppad:
0x0: {  	(pc) =	sbr.rel $0x88, $3  }
0x1: {  	(tag) =	ssettag $0x0;
	lr =	simm.s32 $0x1  }
0x2: {  	[smem:$0x3FA0] =	sst lr;
	_ =	strace $0xD0000000  }
0x3: {  	_ = 	snop  }
0x4: {  	_ = 	snop  }
0x5: {  	_ = 	snop  }
0x6: {  	_ = 	snop  }
0x7: {  	_ = 	snop  }
__scs_overlays_trampoline_lowered:
0x8: {  	[smem:$0x3FAF] =	sst s0  }
0x9: {  	[smem:$0x3FB0] =	sst s1  }
0xa: {  	[smem:$0x3FB1] =	sst s2  }
0xb: {  	[smem:$0x3FB2] =	sst s3  }
0xc: {  	[smem:$0x3FB3] =	sst s4  }
0xd: {  	[smem:$0x3FB4] =	sst s5  }
0xe: {  	[smem:$0x3FB5] =	sst s6  }
0xf: {  	[smem:$0x3FB6] =	sst s7  }
0x10: {  	[smem:$0x3FB7] =	sst s8  }
0x11: {  	[smem:$0x3FB8] =	sst s9;
	s0 =	simm.s32 @!p0 $0x0  }
0x12: {  	s1 =	sld [smem:$0x3F9E];
	s0 =	simm.s32 @p0 $0x1  }
0x13: {  	[smem:$0x3FB9] =	sst s0;
	s0 =	simm.s32 @!p1 $0x0  }
0x14: {  	s2 =	sld [smem:$0x3F9D];
	s0 =	simm.s32 @p1 $0x1  }
0x15: {  	[smem:$0x3FBA] =	sst s0;
	s0 =	simm.s32 @!p2 $0x0  }
0x16: {  	s3 =	sld [smem:$0x3FDB];
	s0 =	simm.s32 @p2 $0x1  }
0x17: {  	s4 =	simm.s32 $0x1BF5;
	[smem:$0x3FBC] =	sst s0  }
0x18: {  	s0 =	sld [smem:$0x3F9F];
	_ =	swait.ge [sflag:s4], $0x0  }
0x19: {  	s7 =	sld [smem:$0x3FA0]  }
0x1a: {  	s8 =	sadd.s32 $0xFFFFE003, lr  }
0x1b: {  	s9 =	sadd.s32 $0xFFFFFEF7, lr;
	s5 =	simm.s32 $0xFFFFFFFF;
	p2 =	slt.u32 s8, $0xFFFFF086  }
0x1c: {  	p1 =	slt.u32 s9, $0xF7A;
	s5 =	simm.s32 @!p2 $0x0  }
0x1d: {  	s5 =	simm.s32 @p1 $0x1;
	p0 =	seq.s32 s7, s2  }
0x1e: {  	s7 =	smul.u32 @!p0 $0xF7A, s2;
	p2 =	seq.s32 @!p0 s5, $0x0  }
0x1f: {  	s9 =	smul.u32 $0xF7A, s1;
	s8 =	simm.s32 @!p0 $0x1BF5;
	p2 =	por !p2, p0  }
0x20: {  	[sflag:s8] =	ssyncset.s32 @!p0 $0xFFFFF086;
	s6 =	sadd.s32 @!p0 s3, s7;
	s7 =	simm.s32 @!p0 $0x108  }
0x21: {  	s3 =	sadd.s32 s3, s9;
	s6 =	sadd.s32 @!p0 $0x88, s6;
	s7 =	simm.s32 @p2 $0x1082  }
0x22: {  	[simem:s7], [sflag:s8] =	dma.local @!p0 [hbm:s6], $0xF7A  }
0x23: {  	s9 =	sor.u32 $0xD0000000, s2;
	s6 =	simm.s32 $0x108;
	_ =	swait.ge @!p0 [sflag:s8], $0x0  }
0x24: {  	s3 =	sadd.s32 $0x88, s3;
	s6 =	simm.s32 @!p1 $0x1082;
	[sflag:s4] =	ssyncset.s32 $0xFFFFF086  }
0x25: {  	[simem:s6], [sflag:s4] =	dma.local [hbm:s3], $0xF7A  }
0x26: {  	[smem:$0x3FA0] =	sst s1;
	(tag) =	ssettag s2;
	_ =	strace s9  }
0x27: {  	s1 =	sld [smem:$0x3FB0]  }
0x28: {  	s2 =	sld [smem:$0x3FB1]  }
0x29: {  	s4 =	sld [smem:$0x3FB3]  }
0x2a: {  	p0 =	seq.s32 s5, $0x0;
	s5 =	sld [smem:$0x3FB4]  }
0x2b: {  	s6 =	sld [smem:$0x3FB5]  }
0x2c: {  	s7 =	sld [smem:$0x3FB6]  }
0x2d: {  	s3 =	simm.s32 $0x108;
	s8 =	sld [smem:$0x3FB7]  }
0x2e: {  	s3 =	simm.s32 @!p0 $0x1082;
	s9 =	sld [smem:$0x3FB8]  }
0x2f: {  	lr =	sadd.s32 s0, s3;
	s0 =	sld [smem:$0x3FAF]  }
0x30: {  	s3 =	sld [smem:$0x3FB2]  }
0x31: {  	[smem:$0x3FBB] =	sst s10  }
0x32: {  	s10 =	sld [smem:$0x3FB9];
	_ =	sdelay $0x3  }
0x33: {  	p0 =	seq.s32 s10, $0x1;
	s10 =	sld [smem:$0x3FBB];
	_ =	sdelay $0x3  }
0x34: {  	[smem:$0x3FBB] =	sst s10  }
0x35: {  	s10 =	sld [smem:$0x3FBA];
	_ =	sdelay $0x3  }
0x36: {  	p1 =	seq.s32 s10, $0x1;
	s10 =	sld [smem:$0x3FBB];
	_ =	sdelay $0x3  }
0x37: {  	[smem:$0x3FBB] =	sst s10  }
0x38: {  	s10 =	sld [smem:$0x3FBC]  }
0x39: {  	_ = 	snop;
	(pc) =	sbr.ind lr, $3  }
0x3a: {  	_ = 	snop  }
0x3b: {  	_ = 	snop  }
0x3c: {  	p2 =	seq.s32 s10, $0x1;
	s10 =	sld [smem:$0x3FBB]  }
0x3d: {  	_ =	shalt  }
0x3e: {  	_ =	shalt  }
0x3f: {  	_ =	shalt  }
0x40: {  	_ =	shalt  }
0x41: {  	_ =	shalt  }
0x42: {  	_ =	shalt  }
0x43: {  	_ =	shalt  }
0x44: {  	_ =	shalt  }
0x45: {  	_ =	shalt  }
0x46: {  	_ =	shalt  }
0x47: {  	_ =	shalt  }
0x48: {  	_ =	shalt  }
0x49: {  	_ =	shalt  }
0x4a: {  	_ =	shalt  }
0x4b: {  	_ =	shalt  }
0x4c: {  	_ =	shalt  }
0x4d: {  	_ =	shalt  }
0x4e: {  	_ =	shalt  }
0x4f: {  	_ =	shalt  }
0x50: {  	_ =	shalt  }
0x51: {  	_ =	shalt  }
0x52: {  	_ =	shalt  }
0x53: {  	_ =	shalt  }
0x54: {  	_ =	shalt  }
0x55: {  	_ =	shalt  }
0x56: {  	_ =	shalt  }
0x57: {  	_ =	shalt  }
0x58: {  	_ =	shalt  }
0x59: {  	_ =	shalt  }
0x5a: {  	_ =	shalt  }
0x5b: {  	_ =	shalt  }
0x5c: {  	_ =	shalt  }
0x5d: {  	_ =	shalt  }
0x5e: {  	_ =	shalt  }
0x5f: {  	_ =	shalt  }
0x60: {  	_ =	shalt  }
0x61: {  	_ =	shalt  }
0x62: {  	_ =	shalt  }
0x63: {  	_ =	shalt  }
0x64: {  	_ =	shalt  }
0x65: {  	_ =	shalt  }
0x66: {  	_ =	shalt  }
0x67: {  	_ =	shalt  }
0x68: {  	_ =	shalt  }
0x69: {  	_ =	shalt  }
0x6a: {  	_ =	shalt  }
0x6b: {  	_ =	shalt  }
0x6c: {  	_ =	shalt  }
0x6d: {  	_ =	shalt  }
0x6e: {  	_ =	shalt  }
0x6f: {  	_ =	shalt  }
0x70: {  	_ =	shalt  }
0x71: {  	_ =	shalt  }
0x72: {  	_ =	shalt  }
0x73: {  	_ =	shalt  }
0x74: {  	_ =	shalt  }
0x75: {  	_ =	shalt  }
0x76: {  	_ =	shalt  }
0x77: {  	_ =	shalt  }
0x78: {  	_ =	shalt  }
0x79: {  	_ =	shalt  }
0x7a: {  	_ =	shalt  }
0x7b: {  	_ =	shalt  }
0x7c: {  	_ =	shalt  }
0x7d: {  	_ =	shalt  }
0x7e: {  	_ =	shalt  }
0x7f: {  	_ =	shalt  }
0x80: {  	_ =	shalt  }
0x81: {  	_ =	shalt  }
0x82: {  	_ =	shalt  }
0x83: {  	_ =	shalt  }
0x84: {  	_ =	shalt  }
0x85: {  	_ =	shalt  }
0x86: {  	_ =	shalt  }
0x87: {  	_ =	shalt  }
.Lfunc_end0:
.L_simem_size_0:
called_computation_lowered:
.L_overlay_start_0:
0x88: {  	s2 =	sld [smem:$0x3FD9]  }
0x89: {  	s3 =	sld [smem:$0x3FFE];
	_ =	sdelay $0x1  }
0x8a: {  	s1 =	srdreg.scid  }
0x8b: {  	s0 =	sand.u32 $0x1, s1  }
0x8c: {  	s17 =	sshll.u32 s0, $0xA;
	s2 =	sadd.s32 s3, s2  }
0x8d: {  	s2 =	sadd.s32 s2, s17  }
0x8e: {  	[smem:$0x3FC7] =	sst s2  }
0x8f: {  	_ = 	snop  }
0x90: {  	s2 =	sld [smem:$0x3FC9];
	(tm) =	ssettm $0x1  }
0x91: {  	s18 =	sld [smem:$0x3FFB];
	_ =	sdelay $0x3  }
0x92: {  	_ =	strace s18  }
0x93: {  	s3 =	sld [smem:$0x3FFC];
	_ =	sdelay $0x3  }
0x94: {  	_ =	strace s3  }
0x95: {  	s3 =	sld [smem:$0x3FFD];
	_ =	sdelay $0x3  }
0x96: {  	_ =	strace s3  }
0x97: {  	_ =	strace $0x8FFFFFFF  }
0x98: {  	s19 =	sld [smem:$0x3FDB];
	_ =	sdelay $0x1  }
0x99: {  	s4 =	simm.s32 $_scs_section_size  }
0x9a: {  	s5 =	simm.s32 $_size__tile_overlayer_lowered;
	s6 =	simm.s32 $_tile_overlayer_lowered  }
0x9b: {  	s22 =	simm.s32 $0x1BFF;
	s21 =	sshll.u32 s6, $0x1;
	s3 =	sadd.s32 s4, s19  }
0x9c: {  	s7 =	simm.s32 $0x0;
	s20 =	sshll.u32 s5, $0x1;
	s5 =	sadd.s32 s21, s3  }
0x9d: {  	[timem:s7], [sflag:s22] =	dma.local [hbm:s5], s20  }
0x9e: {  	_ =	swait.ge [sflag:s22], s20  }
0x9f: {  	s4 =	ssub.s32 $0x0, s20;
	[sflag:s22] =	ssyncset.done $0x0  }
0xa0: {  	[sflag:s22] =	ssyncadd.s32 s4;
	_ =	sdelay $0x1  }
0xa1: {  	s23 =	simm.s32 $0x1B8B  }
0xa2: {  	_ =	swait.ge [sflag:s23], $0x1  }
0xa3: {  	[sflag:s23] =	ssyncset.done $0x0  }
0xa4: {  	s25 =	simm.s32 $0x1B8E;
	s24 =	sld [smem:$0x3FFE];
	[sflag:s23] =	ssyncadd.s32 $0xFFFFFFFF  }
0xa5: {  	s26 =	simm.s32 $execute0_lowered;
	[smem:$0x3FD2] =	sst s25  }
0xa6: {  	s5 =	sshll.u32 s26, $0x1;
	_ =	strace $0x80000046;
	[dreg:$0x1] =	wrdreg $0xFFFFFFFF  }
0xa7: {  	s28 =	simm.s32 $_size_execute0_lowered;
	s3 =	sadd.s32 s3, s5;
	[dreg:$0x0] =	wrdreg $0x0  }
0xa8: {  	s5 =	sshll.u32 s28, $0x1;
	[dreg:$0x2] =	wrdreg s3  }
0xa9: {  	[dreg:$0x3] =	wrdreg s5  }
0xaa: {  	[dreg:$0x4] =	wrdreg $0xC0  }
0xab: {  	_ =	task [dreg:s7], $0x5FFFF  }
0xac: {  	[dreg:$0x1] =	wrdreg $0xFFFFFFFF  }
0xad: {  	[dreg:$0x0] =	wrdreg $0x60  }
0xae: {  	[dreg:$0x2] =	wrdreg s2  }
0xaf: {  	[dreg:$0x3] =	wrdreg s24  }
0xb0: {  	[dreg:$0x4] =	wrdreg $0x9  }
0xb1: {  	_ =	task.clear_ibuf [dreg:s7], $0x5FFFF;
	_ =	strace $0x90000046  }
0xb2: {  	s29 =	simm.s32 $0x9;
	_ =	strace $0x80000048  }
0xb3: {  	_ =	swait.ge [sflag:s29], $0x1  }
0xb4: {  	[sflag:s29] =	ssyncadd.s32 $0xFFFFFFFF  }
0xb5: {  	_ =	strace $0x90000048  }
0xb6: {  	_ =	sfence  }
0xb7: {  	s30 =	sld [smem:$0x0];
	_ =	sdelay $0x2  }
0xb8: {  	s31 =	sshll.u32 s1, $0xD;
	s1 =	sshrl.u32 s1, $0x2  }
0xb9: {  	s3 =	sand.u32 $0x4000, s31;
	s1 =	sadd.s32 s1, s30  }
0xba: {  	s0 =	sor.u32 s3, s0;
	s1 =	sshll.u32 s1, $0x11  }
0xbb: {  	s0 =	sor.u32 s1, s0  }
0xbc: {  	s0 =	sadd.s32 $0x8F2B, s0  }
0xbd: {  	[sflag:s0] =	ssyncadd.remote.s32 $0x1  }
0xbe: {  	_ =	sfence.sel $0xFFFF  }
0xbf: {  	[dreg:$0x0] =	wrdreg $0xFFFFFFFF;
	(pc) =	sbr.abs _section_cstart, $3  }
0xc0: {  	[dreg:$0x1] =	wrdreg $0xFFFFFFFF  }
0xc1: {  	_ =	task.clear_ibuf [dreg:s7], $0x2FFFF;
	_ =	strace $0x9FFFFFFF  }
0xc2: {  	(tm) =	ssettm $0x7FFFFFFF  }
0xc3: {  	_ =	shalt  }
tec
execute0_lowered:
.L_overlay_start_1:
0x0: {  	(tag) =	ssettag $0x1  }
0x1: {  	v0 =	vimm.s32 $0x2380;
	vm14 =	vcmask $0x300;
	vm13 =	vcmask $0x704  }
0x2: {  	vm12 =	vcmask $0xB08;
	vm11 =	vcmask $0xF0C;
	vm10 =	vcmask $0x1310  }
0x3: {  	vm9 =	vcmask $0x1714;
	vm8 =	vcmask $0x1B18;
	vm7 =	vcmask $0x1F1C  }
0x4: {  	vm6 =	vcmask $0x2320;
	vm5 =	vcmask $0x2724;
	vm4 =	vcmask $0x2B28  }
0x5: {  	vm3 =	vcmask $0x2F2C;
	vm2 =	vcmask $0x3330;
	vm1 =	vcmask $0x3734  }
0x6: {  	vm0 =	vcmask $0x3B38;
	v2 =	vimm.f32 $1.000000000e+00;
	v3 =	vimm.s32 $0x6380  }
0x7: {  	v4 =	vimm.s32 $0xA380;
	v5 =	vimm.s32 $0xE380;
	v0 =	vsel vm14, $0x0, v0  }
0x8: {  	v3 =	vsel vm14, $0x4000, v3;
	v4 =	vsel vm14, $0x8000, v4;
	v5 =	vsel vm14, $0xC000, v5  }
0x9: {  	v0 =	vsel vm13, $0x80, v0;
	v3 =	vsel vm13, $0x4080, v3;
	v4 =	vsel vm13, $0x8080, v4  }
0xa: {  	v5 =	vsel vm13, $0xC080, v5;
	v0 =	vsel vm12, $0x100, v0;
	v3 =	vsel vm12, $0x4100, v3  }
0xb: {  	v4 =	vsel vm12, $0x8100, v4;
	v5 =	vsel vm12, $0xC100, v5;
	v0 =	vsel vm11, $0x180, v0  }
0xc: {  	v3 =	vsel vm11, $0x4180, v3;
	v4 =	vsel vm11, $0x8180, v4;
	v5 =	vsel vm11, $0xC180, v5  }
0xd: {  	s0 =	rddreg [dreg:$0x0];
	v0 =	vsel vm10, $0x200, v0;
	v3 =	vsel vm10, $0x4200, v3;
	v4 =	vsel vm10, $0x8200, v4  }
0xe: {  	s1 =	rddreg [dreg:$0x1];
	s2 =	srdreg.scid;
	v5 =	vsel vm10, $0xC200, v5;
	v0 =	vsel vm9, $0x280, v0;
	v3 =	vsel vm9, $0x4280, v3  }
0xf: {  	s4 =	stileid.u32;
	s21 =	simm.s32 $0x3;
	s22 =	simm.s32 $0x200;
	v4 =	vsel vm9, $0x8280, v4;
	v5 =	vsel vm9, $0xC280, v5;
	v0 =	vsel vm8, $0x300, v0  }
0x10: {  	s23 =	simm.s32 $0x8200;
	s24 =	simm.s32 $0x1;
	s25 =	simm.s32 $0x2;
	v3 =	vsel vm8, $0x4300, v3;
	v4 =	vsel vm8, $0x8300, v4;
	v5 =	vsel vm8, $0xC300, v5  }
0x11: {  	s26 =	simm.s32 $0x0;
	s3 =	sand.u32 $0x1, s2;
	s2 =	simm.s32 $0x0;
	v0 =	vsel vm7, $0x380, v0;
	v3 =	vsel vm7, $0x4380, v3;
	v4 =	vsel vm7, $0x8380, v4  }
0x12: {  	s4 =	sshll.u32 s4, $0xA;
	s5 =	sshll.u32 s3, $0x9;
	[smem:$0x7FF] =	sst s2;
	v5 =	vsel vm7, $0xC380, v5;
	v0 =	vsel vm6, $0x2000, v0;
	v3 =	vsel vm6, $0x6000, v3  }
0x13: {  	s3 =	ssub.s32 $0x2, s3;
	s4 =	sor.u32 s5, s4;
	_ =	strace $0x80000047;
	v4 =	vsel vm6, $0xA000, v4;
	v5 =	vsel vm6, $0xE000, v5;
	v0 =	vsel vm5, $0x2080, v0  }
0x14: {  	s6 =	sshrl.u32 s3, $0x1;
	s5 =	sshll.u32 s4, $0x7;
	s31 =	sshrl.u32 s4, $0x3;
	v3 =	vsel vm5, $0x6080, v3;
	v4 =	vsel vm5, $0xA080, v4;
	v5 =	vsel vm5, $0xE080, v5  }
0x15: {  	s20 =	ssub.s32 s3, s6;
	s1 =	sadd.s32 s5, s1;
	s0 =	sadd.s32 s0, s31;
	v0 =	vsel vm4, $0x2100, v0;
	v3 =	vsel vm4, $0x6100, v3;
	v4 =	vsel vm4, $0xA100, v4  }
0x16: {  	s20 =	smax.u32 s20, $0x1;
	[dreg:$0x3] =	wrdreg s0;
	s4 =	sadd.s32 $0x400, s1;
	v5 =	vsel vm4, $0xE100, v5;
	v0 =	vsel vm3, $0x2180, v0;
	v3 =	vsel vm3, $0x6180, v3  }
0x17: {  	s5 =	sadd.s32 $0x1400, s1;
	s6 =	sadd.s32 $0x2400, s1;
	s7 =	sadd.s32 $0x3400, s1;
	v4 =	vsel vm3, $0xA180, v4;
	v5 =	vsel vm3, $0xE180, v5;
	v0 =	vsel vm2, $0x2200, v0  }
0x18: {  	s8 =	sadd.s32 $0x4400, s1;
	s9 =	sadd.s32 $0x5400, s1;
	s10 =	sadd.s32 $0x6400, s1;
	v3 =	vsel vm2, $0x6200, v3;
	v4 =	vsel vm2, $0xA200, v4;
	v5 =	vsel vm2, $0xE200, v5  }
0x19: {  	s11 =	sadd.s32 $0x7400, s1;
	s12 =	sadd.s32 $0x8400, s1;
	s13 =	sadd.s32 $0x9400, s1;
	v1 =	vsel vm1, $0x2280, v0;
	v0 =	vimm.f32 $0.0e+00;
	v3 =	vsel vm1, $0x6280, v3  }
0x1a: {  	s14 =	sadd.s32 $0xA400, s1;
	s15 =	sadd.s32 $0xB400, s1;
	s16 =	sadd.s32 $0xC400, s1;
	v4 =	vsel vm1, $0xA280, v4;
	v5 =	vsel vm1, $0xE280, v5;
	v1 =	vsel vm0, $0x2300, v1  }
0x1b: {  	s17 =	sadd.s32 $0xD400, s1;
	s18 =	sadd.s32 $0xE400, s1;
	s19 =	sadd.s32 $0xF400, s1;
	v3 =	vsel vm0, $0x6300, v3;
	v4 =	vsel vm0, $0xA300, v4;
	v5 =	vsel vm0, $0xE300, v5  }
.LBB2_1:
0x1c: {  	s0 =	rddreg [dreg:$0x3];
	s28 =	simm.s32 $0xFFFF8000  }
0x1d: {  	s29 =	simm.s32 $0x0;
	s30 =	simm.s32 $0x0;
	s31 =	simm.s32 $0x0  }
0x1e: {  	[tilespmem:s2], [sflag:$0x3] =	stream.linear.gather [hbm4b:s0+s2], $0x200, $0x38;
	[tilespmem:$0x10200] =	vst v63  }
.LBB2_2:
0x1f: {  	s0 =	sadd.s32 $0x8000, s28  }
0x20: {  	s1 =	sand.u32 $0x380, s31;
	s0 =	sand.u32 $0x6000, s0  }
0x21: {  	s0 =	sor.u32 s1, s0  }
0x22: {  	[tilespmem:s0+$0x200] =	vst v0  }
0x23: {  	[tilespmem:s0+$0x210] =	vst v0  }
0x24: {  	[tilespmem:s0+$0x220] =	vst v0  }
0x25: {  	[tilespmem:s0+$0x230] =	vst v0  }
0x26: {  	[tilespmem:s0+$0x240] =	vst v0  }
0x27: {  	[tilespmem:s0+$0x250] =	vst v0  }
0x28: {  	[tilespmem:s0+$0x260] =	vst v0  }
0x29: {  	[tilespmem:s0+$0x270] =	vst v0  }
0x2a: {  	[tilespmem:s0+$0x600] =	vst v0  }
0x2b: {  	[tilespmem:s0+$0x610] =	vst v0  }
0x2c: {  	[tilespmem:s0+$0x620] =	vst v0  }
0x2d: {  	[tilespmem:s0+$0x630] =	vst v0  }
0x2e: {  	[tilespmem:s0+$0x640] =	vst v0  }
0x2f: {  	[tilespmem:s0+$0x650] =	vst v0  }
0x30: {  	[tilespmem:s0+$0x660] =	vst v0  }
0x31: {  	[tilespmem:s0+$0x670] =	vst v0  }
0x32: {  	[tilespmem:s0+$0xA00] =	vst v0  }
0x33: {  	[tilespmem:s0+$0xA10] =	vst v0  }
0x34: {  	[tilespmem:s0+$0xA20] =	vst v0  }
0x35: {  	[tilespmem:s0+$0xA30] =	vst v0  }
0x36: {  	[tilespmem:s0+$0xA40] =	vst v0  }
0x37: {  	[tilespmem:s0+$0xA50] =	vst v0  }
0x38: {  	[tilespmem:s0+$0xA60] =	vst v0  }
0x39: {  	[tilespmem:s0+$0xA70] =	vst v0  }
0x3a: {  	[tilespmem:s0+$0xE00] =	vst v0  }
0x3b: {  	[tilespmem:s0+$0xE10] =	vst v0  }
0x3c: {  	[tilespmem:s0+$0xE20] =	vst v0  }
0x3d: {  	[tilespmem:s0+$0xE30] =	vst v0  }
0x3e: {  	[tilespmem:s0+$0xE40] =	vst v0  }
0x3f: {  	[tilespmem:s0+$0xE50] =	vst v0  }
0x40: {  	[tilespmem:s0+$0xE60] =	vst v0  }
0x41: {  	[tilespmem:s0+$0xE70] =	vst v0  }
0x42: {  	[tilespmem:s0+$0x1200] =	vst v0  }
0x43: {  	[tilespmem:s0+$0x1210] =	vst v0  }
0x44: {  	[tilespmem:s0+$0x1220] =	vst v0  }
0x45: {  	[tilespmem:s0+$0x1230] =	vst v0  }
0x46: {  	[tilespmem:s0+$0x1240] =	vst v0  }
0x47: {  	[tilespmem:s0+$0x1250] =	vst v0  }
0x48: {  	[tilespmem:s0+$0x1260] =	vst v0  }
0x49: {  	[tilespmem:s0+$0x1270] =	vst v0  }
0x4a: {  	[tilespmem:s0+$0x1600] =	vst v0  }
0x4b: {  	[tilespmem:s0+$0x1610] =	vst v0  }
0x4c: {  	[tilespmem:s0+$0x1620] =	vst v0  }
0x4d: {  	[tilespmem:s0+$0x1630] =	vst v0  }
0x4e: {  	[tilespmem:s0+$0x1640] =	vst v0  }
0x4f: {  	[tilespmem:s0+$0x1650] =	vst v0  }
0x50: {  	[tilespmem:s0+$0x1660] =	vst v0  }
0x51: {  	[tilespmem:s0+$0x1670] =	vst v0  }
0x52: {  	[tilespmem:s0+$0x1A00] =	vst v0  }
0x53: {  	[tilespmem:s0+$0x1A10] =	vst v0  }
0x54: {  	[tilespmem:s0+$0x1A20] =	vst v0  }
0x55: {  	[tilespmem:s0+$0x1A30] =	vst v0  }
0x56: {  	s3 =	sand.u32 $0x7, s29;
	[tilespmem:s0+$0x1A40] =	vst v0  }
0x57: {  	s1 =	sshll.u32 s3, $0x7;
	[tilespmem:s0+$0x1A50] =	vst v0  }
0x58: {  	s1 =	sadd.s32 s1, s30;
	[tilespmem:s0+$0x1A60] =	vst v0  }
0x59: {  	[tilespmem:s0+$0x1A70] =	vst v0;
	s3 =	sor.u32 $0x1C00, s1  }
0x5a: {  	[tilespmem:s3+$0x200] =	vst v0;
	s3 =	sor.u32 $0x1C10, s1  }
0x5b: {  	p0 =	sne.s32 s31, $0xF80;
	[tilespmem:s3+$0x200] =	vst v0;
	s3 =	sor.u32 $0x1C20, s1  }
.Ltmp0:
0x5c: {  	[tilespmem:s3+$0x200] =	vst v0;
	s3 =	sor.u32 $0x1C30, s1;
	(pc) =	sbr.rel @p0 .LBB2_2-.Ltmp0, $4  }
0x5d: {  	[tilespmem:s3+$0x200] =	vst v0;
	s3 =	sor.u32 $0x1C40, s1  }
0x5e: {  	[tilespmem:s3+$0x200] =	vst v0;
	s3 =	sor.u32 $0x1C50, s1  }
0x5f: {  	s29 =	sadd.s32 $0x1, s29;
	[tilespmem:s3+$0x200] =	vst v0;
	s3 =	sor.u32 $0x1C58, s1  }
0x60: {  	s28 =	sadd.s32 $0x400, s28;
	s31 =	sadd.s32 $0x80, s31;
	s30 =	sadd.s32 $0x400, s30;
	[tilespmem:s3+$0x200] =	vst v0  }
0x61: {  	_ =	swait.ge [sflag:s21], $0x200  }
0x62: {  	[sflag:s21] =	ssyncset.done $0x0  }
0x63: {  	[sflag:s21] =	ssyncadd.s32 $0xFFFFFE00  }
0x64: {  	v6 =	vld [tilespmem:$0x0];
	_ =	sdelay $0x4  }
0x65: {  	v7 =	vshll.u32 v6, $0x3  }
0x66: {  	v6 =	vand.u32 $0x7F, v6;
	v7 =	vand.u32 $0xFFFFFC00, v7  }
0x67: {  	v6 =	vor.u32 v6, v7  }
0x68: {  	v6 =	vadd.s32 v1, v6;
	_ =	sdelay $0x4  }
0x69: {  	[tilespmem:v6+s22+$0x0] =	vst.idx.msk $0xffff, v2  }
0x6a: {  	v6 =	vld [tilespmem:$0x10];
	_ =	sdelay $0x4  }
0x6b: {  	v7 =	vshll.u32 v6, $0x3  }
0x6c: {  	v6 =	vand.u32 $0x7F, v6;
	v7 =	vand.u32 $0xFFFFFC00, v7  }
0x6d: {  	v6 =	vor.u32 v6, v7  }
0x6e: {  	v6 =	vadd.s32 v3, v6;
	_ =	sdelay $0x2  }
0x6f: {  	s0 =	simm.s32 $0x0  }
0x70: {  	s1 =	sand.u32 $0x6000, s0;
	s28 =	sand.u32 $0x380, s0  }
0x71: {  	s28 =	sor.u32 s28, s1;
	[tilespmem:v6+s22+$0x0] =	vst.idx.msk $0xffff, v2  }
0x72: {  	[hbm4b:s4+s0] =	stream.linear.scatter [tilespmem:s22], [sflag:$0x1], $0x8000, $0x38;
	[tilespmem:$0x10200] =	vst v63  }
0x73: {  	[tilespmem:s28+$0x8A70] =	vst v0  }
0x74: {  	[tilespmem:s28+$0x8A40] =	vst v0  }
0x75: {  	[tilespmem:s28+$0x8A60] =	vst v0  }
0x76: {  	[tilespmem:s28+$0x8A50] =	vst v0  }
0x77: {  	[tilespmem:s28+$0x8240] =	vst v0  }
0x78: {  	[tilespmem:s28+$0x8A30] =	vst v0  }
0x79: {  	[tilespmem:s28+$0x8A20] =	vst v0  }
0x7a: {  	[tilespmem:s28+$0x8640] =	vst v0  }
0x7b: {  	[tilespmem:s28+$0x8A10] =	vst v0  }
0x7c: {  	[tilespmem:s28+$0x8A00] =	vst v0  }
0x7d: {  	[tilespmem:s28+$0x8670] =	vst v0  }
0x7e: {  	[tilespmem:s28+$0x8660] =	vst v0  }
0x7f: {  	[tilespmem:s28+$0x8620] =	vst v0  }
0x80: {  	[tilespmem:s28+$0x8610] =	vst v0  }
0x81: {  	[tilespmem:s28+$0x8600] =	vst v0  }
0x82: {  	[tilespmem:s28+$0x8270] =	vst v0  }
0x83: {  	[tilespmem:s28+$0x8260] =	vst v0  }
0x84: {  	[tilespmem:s28+$0x8250] =	vst v0  }
0x85: {  	[tilespmem:s28+$0x8650] =	vst v0  }
0x86: {  	[tilespmem:s28+$0x8230] =	vst v0  }
0x87: {  	[tilespmem:s28+$0x8220] =	vst v0  }
0x88: {  	[tilespmem:s28+$0x8210] =	vst v0  }
0x89: {  	s1 =	sor.u32 s1, s0;
	[tilespmem:s28+$0x8630] =	vst v0  }
0x8a: {  	s1 =	sor.u32 $0x8C00, s1;
	[tilespmem:s28+$0x8200] =	vst v0  }
0x8b: {  	[tilespmem:s1+$0x270] =	vst v0  }
0x8c: {  	[tilespmem:s1+$0x260] =	vst v0  }
0x8d: {  	[tilespmem:s1+$0x210] =	vst v0  }
0x8e: {  	[tilespmem:s1+$0x220] =	vst v0  }
0x8f: {  	[tilespmem:s1+$0x230] =	vst v0  }
0x90: {  	[tilespmem:s1+$0x250] =	vst v0  }
0x91: {  	[tilespmem:s1+$0x240] =	vst v0  }
0x92: {  	[tilespmem:s1+$0x200] =	vst v0  }
0x93: {  	[tilespmem:s28+$0x9A40] =	vst v0  }
0x94: {  	[tilespmem:s28+$0x9640] =	vst v0  }
0x95: {  	[tilespmem:s28+$0x9240] =	vst v0  }
0x96: {  	[tilespmem:s28+$0x9A70] =	vst v0  }
0x97: {  	[tilespmem:s28+$0x9210] =	vst v0  }
0x98: {  	[tilespmem:s28+$0x9220] =	vst v0  }
0x99: {  	[tilespmem:s28+$0x9230] =	vst v0  }
0x9a: {  	[tilespmem:s28+$0x9260] =	vst v0  }
0x9b: {  	[tilespmem:s28+$0x9270] =	vst v0  }
0x9c: {  	[tilespmem:s28+$0x9600] =	vst v0  }
0x9d: {  	[tilespmem:s28+$0x9610] =	vst v0  }
0x9e: {  	[tilespmem:s28+$0x9620] =	vst v0  }
0x9f: {  	[tilespmem:s28+$0x9630] =	vst v0  }
0xa0: {  	[tilespmem:s28+$0x9650] =	vst v0  }
0xa1: {  	[tilespmem:s28+$0x9660] =	vst v0  }
0xa2: {  	[tilespmem:s28+$0x9670] =	vst v0  }
0xa3: {  	[tilespmem:s28+$0x9A00] =	vst v0  }
0xa4: {  	[tilespmem:s28+$0x9A10] =	vst v0  }
0xa5: {  	[tilespmem:s28+$0x9A20] =	vst v0  }
0xa6: {  	[tilespmem:s28+$0x9A30] =	vst v0  }
0xa7: {  	[tilespmem:s28+$0x9A50] =	vst v0  }
0xa8: {  	[tilespmem:s28+$0x9A60] =	vst v0  }
0xa9: {  	s0 =	sor.u32 s0, s0;
	[tilespmem:s28+$0x9250] =	vst v0  }
0xaa: {  	s0 =	sor.u32 $0x9C00, s0;
	[tilespmem:s28+$0x9200] =	vst v0  }
0xab: {  	[tilespmem:s0+$0x240] =	vst v0  }
0xac: {  	[tilespmem:s0+$0x230] =	vst v0  }
0xad: {  	[tilespmem:s0+$0x220] =	vst v0  }
0xae: {  	[tilespmem:s0+$0x210] =	vst v0  }
0xaf: {  	s29 =	simm.s32 $0x400;
	s28 =	simm.s32 $0x80;
	[tilespmem:s0+$0x250] =	vst v0  }
.LBB2_4:
0xb0: {  	s3 =	sand.u32 $0x6000, s29  }
0xb1: {  	s31 =	sand.u32 $0x380, s28;
	[tilespmem:s0+$0x200] =	vst v0;
	s30 =	smov.u32 s29;
	s1 =	sadd.s32 $0x400, s29  }
0xb2: {  	p0 =	sne.s32 s29, $0x7C00;
	s31 =	sor.u32 s31, s3;
	s3 =	sor.u32 s3, s28;
	[tilespmem:s0+$0x258] =	vst v0  }
0xb3: {  	[tilespmem:s31+$0x8A70] =	vst v0  }
0xb4: {  	[tilespmem:s31+$0x8A40] =	vst v0  }
0xb5: {  	[tilespmem:s31+$0x8A60] =	vst v0  }
0xb6: {  	[tilespmem:s31+$0x8A50] =	vst v0  }
0xb7: {  	[tilespmem:s31+$0x8240] =	vst v0  }
0xb8: {  	[tilespmem:s31+$0x8A30] =	vst v0  }
0xb9: {  	[tilespmem:s31+$0x8A20] =	vst v0  }
0xba: {  	[tilespmem:s31+$0x8640] =	vst v0  }
0xbb: {  	[tilespmem:s31+$0x8A10] =	vst v0  }
0xbc: {  	[tilespmem:s31+$0x8A00] =	vst v0  }
0xbd: {  	[tilespmem:s31+$0x8670] =	vst v0  }
0xbe: {  	[tilespmem:s31+$0x8660] =	vst v0  }
0xbf: {  	[tilespmem:s31+$0x8620] =	vst v0  }
0xc0: {  	[tilespmem:s31+$0x8610] =	vst v0  }
0xc1: {  	[tilespmem:s31+$0x8600] =	vst v0  }
0xc2: {  	[tilespmem:s31+$0x8270] =	vst v0  }
0xc3: {  	[tilespmem:s31+$0x8260] =	vst v0  }
0xc4: {  	[tilespmem:s31+$0x8250] =	vst v0  }
0xc5: {  	[tilespmem:s31+$0x8650] =	vst v0  }
0xc6: {  	[tilespmem:s31+$0x8230] =	vst v0  }
0xc7: {  	[tilespmem:s31+$0x8220] =	vst v0  }
0xc8: {  	[tilespmem:s31+$0x8210] =	vst v0  }
0xc9: {  	[tilespmem:s31+$0x8630] =	vst v0  }
0xca: {  	s0 =	sor.u32 $0x8C00, s3;
	[tilespmem:s31+$0x8200] =	vst v0  }
0xcb: {  	[tilespmem:s0+$0x270] =	vst v0  }
0xcc: {  	[tilespmem:s0+$0x260] =	vst v0  }
0xcd: {  	[tilespmem:s0+$0x210] =	vst v0  }
0xce: {  	[tilespmem:s0+$0x220] =	vst v0  }
0xcf: {  	[tilespmem:s0+$0x230] =	vst v0  }
0xd0: {  	[tilespmem:s0+$0x250] =	vst v0  }
0xd1: {  	[tilespmem:s0+$0x240] =	vst v0  }
0xd2: {  	[tilespmem:s31+$0x9A40] =	vst v0  }
0xd3: {  	[tilespmem:s31+$0x9640] =	vst v0  }
0xd4: {  	[tilespmem:s31+$0x9240] =	vst v0  }
0xd5: {  	[tilespmem:s0+$0x200] =	vst v0  }
0xd6: {  	[tilespmem:s31+$0x9A70] =	vst v0  }
0xd7: {  	[tilespmem:s31+$0x9210] =	vst v0  }
0xd8: {  	[tilespmem:s31+$0x9220] =	vst v0  }
0xd9: {  	[tilespmem:s31+$0x9230] =	vst v0  }
0xda: {  	[tilespmem:s31+$0x9260] =	vst v0  }
0xdb: {  	[tilespmem:s31+$0x9270] =	vst v0  }
0xdc: {  	[tilespmem:s31+$0x9600] =	vst v0  }
0xdd: {  	[tilespmem:s31+$0x9610] =	vst v0  }
0xde: {  	[tilespmem:s31+$0x9620] =	vst v0  }
0xdf: {  	[tilespmem:s31+$0x9630] =	vst v0  }
0xe0: {  	[tilespmem:s31+$0x9650] =	vst v0  }
0xe1: {  	[tilespmem:s31+$0x9660] =	vst v0  }
0xe2: {  	[tilespmem:s31+$0x9670] =	vst v0  }
0xe3: {  	[tilespmem:s31+$0x9A00] =	vst v0  }
0xe4: {  	[tilespmem:s31+$0x9A10] =	vst v0  }
0xe5: {  	[tilespmem:s31+$0x9A20] =	vst v0  }
0xe6: {  	[tilespmem:s31+$0x9A30] =	vst v0  }
0xe7: {  	[tilespmem:s31+$0x9A50] =	vst v0  }
0xe8: {  	[tilespmem:s31+$0x9A60] =	vst v0  }
0xe9: {  	s0 =	sor.u32 s30, s28;
	[tilespmem:s31+$0x9250] =	vst v0  }
0xea: {  	s0 =	sor.u32 $0x9C00, s0;
	[tilespmem:s31+$0x9200] =	vst v0  }
.Ltmp1:
0xeb: {  	[tilespmem:s0+$0x240] =	vst v0;
	(pc) =	sbr.rel @p0 .LBB2_4-.Ltmp1, $4  }
0xec: {  	[tilespmem:s0+$0x230] =	vst v0  }
0xed: {  	[tilespmem:s0+$0x220] =	vst v0  }
0xee: {  	[tilespmem:s0+$0x210] =	vst v0  }
0xef: {  	s29 =	smov.u32 s1;
	s28 =	sadd.s32 $0x80, s28;
	[tilespmem:s0+$0x250] =	vst v0  }
0xf0: {  	[tilespmem:s0+$0x200] =	vst v0  }
0xf1: {  	[tilespmem:s0+$0x258] =	vst v0  }
0xf2: {  	v6 =	vld [tilespmem:$0x20];
	_ =	sdelay $0x4  }
0xf3: {  	v7 =	vshll.u32 v6, $0x3  }
0xf4: {  	v6 =	vand.u32 $0x7F, v6;
	v7 =	vand.u32 $0xFFFFFC00, v7  }
0xf5: {  	v6 =	vor.u32 v6, v7  }
0xf6: {  	v6 =	vadd.s32 v4, v6;
	_ =	sdelay $0x4  }
0xf7: {  	[tilespmem:v6+s22+$0x0] =	vst.idx.msk $0xffff, v2  }
0xf8: {  	v6 =	vld [tilespmem:$0x30];
	_ =	sdelay $0x4  }
0xf9: {  	v7 =	vshll.u32 v6, $0x3  }
0xfa: {  	v6 =	vand.u32 $0x7F, v6;
	v7 =	vand.u32 $0xFFFFFC00, v7  }
0xfb: {  	v6 =	vor.u32 v6, v7  }
0xfc: {  	v6 =	vadd.s32 v5, v6;
	_ =	sdelay $0x4  }
0xfd: {  	[tilespmem:v6+s22+$0x0] =	vst.idx.msk $0xffff, v2  }
0xfe: {  	[hbm4b:s5+s2] =	stream.linear.scatter [tilespmem:s23], [sflag:$0x2], $0x8000, $0x38;
	[tilespmem:$0x10200] =	vst v63  }
0xff: {  	_ =	swait.ge [sflag:s24], $0x8000  }
0x100: {  	[sflag:s24] =	ssyncset.done $0x0  }
0x101: {  	[sflag:s24] =	ssyncadd.s32 $0xFFFF8000  }
0x102: {  	v6 =	vld [tilespmem:$0x0];
	_ =	sdelay $0x4  }
0x103: {  	v7 =	vshll.u32 v6, $0x3  }
0x104: {  	v6 =	vand.u32 $0x7F, v6;
	v7 =	vand.u32 $0xFFFFFC00, v7  }
0x105: {  	v6 =	vor.u32 v6, v7  }
0x106: {  	v6 =	vadd.s32 v1, v6;
	_ =	sdelay $0x4  }
0x107: {  	[tilespmem:v6+s22+$0x0] =	vst.idx.msk $0xffff, v0  }
0x108: {  	v6 =	vld [tilespmem:$0x10];
	_ =	sdelay $0x4  }
0x109: {  	v7 =	vshll.u32 v6, $0x3  }
0x10a: {  	v6 =	vand.u32 $0x7F, v6;
	v7 =	vand.u32 $0xFFFFFC00, v7  }
0x10b: {  	v6 =	vor.u32 v6, v7  }
0x10c: {  	v6 =	vadd.s32 v3, v6;
	_ =	sdelay $0x4  }
0x10d: {  	[tilespmem:v6+s22+$0x0] =	vst.idx.msk $0xffff, v0  }
0x10e: {  	v6 =	vld [tilespmem:$0x40];
	_ =	sdelay $0x4  }
0x10f: {  	v7 =	vshll.u32 v6, $0x3  }
0x110: {  	v6 =	vand.u32 $0x7F, v6;
	v7 =	vand.u32 $0xFFFFFC00, v7  }
0x111: {  	v6 =	vor.u32 v6, v7  }
0x112: {  	v6 =	vadd.s32 v1, v6;
	_ =	sdelay $0x4  }
0x113: {  	[tilespmem:v6+s22+$0x0] =	vst.idx.msk $0xffff, v2  }
0x114: {  	v6 =	vld [tilespmem:$0x50];
	_ =	sdelay $0x4  }
0x115: {  	v7 =	vshll.u32 v6, $0x3  }
0x116: {  	v6 =	vand.u32 $0x7F, v6;
	v7 =	vand.u32 $0xFFFFFC00, v7  }
0x117: {  	v6 =	vor.u32 v6, v7  }
0x118: {  	v6 =	vadd.s32 v3, v6;
	_ =	sdelay $0x4  }
0x119: {  	[tilespmem:v6+s22+$0x0] =	vst.idx.msk $0xffff, v2  }
0x11a: {  	[hbm4b:s6+s2] =	stream.linear.scatter [tilespmem:s22], [sflag:$0x1], $0x8000, $0x38;
	[tilespmem:$0x10200] =	vst v63  }
0x11b: {  	_ =	swait.ge [sflag:s25], $0x8000  }
0x11c: {  	[sflag:s25] =	ssyncset.done $0x0  }
0x11d: {  	[sflag:s25] =	ssyncadd.s32 $0xFFFF8000  }
0x11e: {  	v6 =	vld [tilespmem:$0x20];
	_ =	sdelay $0x4  }
0x11f: {  	v7 =	vshll.u32 v6, $0x3  }
0x120: {  	v6 =	vand.u32 $0x7F, v6;
	v7 =	vand.u32 $0xFFFFFC00, v7  }
0x121: {  	v6 =	vor.u32 v6, v7  }
0x122: {  	v6 =	vadd.s32 v4, v6;
	_ =	sdelay $0x4  }
0x123: {  	[tilespmem:v6+s22+$0x0] =	vst.idx.msk $0xffff, v0  }
0x124: {  	v6 =	vld [tilespmem:$0x30];
	_ =	sdelay $0x4  }
0x125: {  	v7 =	vshll.u32 v6, $0x3  }
0x126: {  	v6 =	vand.u32 $0x7F, v6;
	v7 =	vand.u32 $0xFFFFFC00, v7  }
0x127: {  	v6 =	vor.u32 v6, v7  }
0x128: {  	v6 =	vadd.s32 v5, v6;
	_ =	sdelay $0x4  }
0x129: {  	[tilespmem:v6+s22+$0x0] =	vst.idx.msk $0xffff, v0  }
0x12a: {  	v6 =	vld [tilespmem:$0x60];
	_ =	sdelay $0x4  }
0x12b: {  	v7 =	vshll.u32 v6, $0x3  }
0x12c: {  	v6 =	vand.u32 $0x7F, v6;
	v7 =	vand.u32 $0xFFFFFC00, v7  }
0x12d: {  	v6 =	vor.u32 v6, v7  }
0x12e: {  	v6 =	vadd.s32 v4, v6;
	_ =	sdelay $0x4  }
0x12f: {  	[tilespmem:v6+s22+$0x0] =	vst.idx.msk $0xffff, v2  }
0x130: {  	v6 =	vld [tilespmem:$0x70];
	_ =	sdelay $0x4  }
0x131: {  	v7 =	vshll.u32 v6, $0x3  }
0x132: {  	v6 =	vand.u32 $0x7F, v6;
	v7 =	vand.u32 $0xFFFFFC00, v7  }
0x133: {  	v6 =	vor.u32 v6, v7  }
0x134: {  	v6 =	vadd.s32 v5, v6;
	_ =	sdelay $0x4  }
0x135: {  	[tilespmem:v6+s22+$0x0] =	vst.idx.msk $0xffff, v2  }
0x136: {  	[hbm4b:s7+s2] =	stream.linear.scatter [tilespmem:s23], [sflag:$0x2], $0x8000, $0x38;
	[tilespmem:$0x10200] =	vst v63  }
0x137: {  	_ =	swait.ge [sflag:s24], $0x8000  }
0x138: {  	[sflag:s24] =	ssyncset.done $0x0  }
0x139: {  	[sflag:s24] =	ssyncadd.s32 $0xFFFF8000  }
0x13a: {  	v6 =	vld [tilespmem:$0x40];
	_ =	sdelay $0x4  }
0x13b: {  	v7 =	vshll.u32 v6, $0x3  }
0x13c: {  	v6 =	vand.u32 $0x7F, v6;
	v7 =	vand.u32 $0xFFFFFC00, v7  }
0x13d: {  	v6 =	vor.u32 v6, v7  }
0x13e: {  	v6 =	vadd.s32 v1, v6;
	_ =	sdelay $0x4  }
0x13f: {  	[tilespmem:v6+s22+$0x0] =	vst.idx.msk $0xffff, v0  }
0x140: {  	v6 =	vld [tilespmem:$0x50];
	_ =	sdelay $0x4  }
0x141: {  	v7 =	vshll.u32 v6, $0x3  }
0x142: {  	v6 =	vand.u32 $0x7F, v6;
	v7 =	vand.u32 $0xFFFFFC00, v7  }
0x143: {  	v6 =	vor.u32 v6, v7  }
0x144: {  	v6 =	vadd.s32 v3, v6;
	_ =	sdelay $0x4  }
0x145: {  	[tilespmem:v6+s22+$0x0] =	vst.idx.msk $0xffff, v0  }
0x146: {  	v6 =	vld [tilespmem:$0x80];
	_ =	sdelay $0x4  }
0x147: {  	v7 =	vshll.u32 v6, $0x3  }
0x148: {  	v6 =	vand.u32 $0x7F, v6;
	v7 =	vand.u32 $0xFFFFFC00, v7  }
0x149: {  	v6 =	vor.u32 v6, v7  }
0x14a: {  	v6 =	vadd.s32 v1, v6;
	_ =	sdelay $0x4  }
0x14b: {  	[tilespmem:v6+s22+$0x0] =	vst.idx.msk $0xffff, v2  }
0x14c: {  	v6 =	vld [tilespmem:$0x90];
	_ =	sdelay $0x4  }
0x14d: {  	v7 =	vshll.u32 v6, $0x3  }
0x14e: {  	v6 =	vand.u32 $0x7F, v6;
	v7 =	vand.u32 $0xFFFFFC00, v7  }
0x14f: {  	v6 =	vor.u32 v6, v7  }
0x150: {  	v6 =	vadd.s32 v3, v6;
	_ =	sdelay $0x4  }
0x151: {  	[tilespmem:v6+s22+$0x0] =	vst.idx.msk $0xffff, v2  }
0x152: {  	[hbm4b:s8+s2] =	stream.linear.scatter [tilespmem:s22], [sflag:$0x1], $0x8000, $0x38;
	[tilespmem:$0x10200] =	vst v63  }
0x153: {  	_ =	swait.ge [sflag:s25], $0x8000  }
0x154: {  	[sflag:s25] =	ssyncset.done $0x0  }
0x155: {  	[sflag:s25] =	ssyncadd.s32 $0xFFFF8000  }
0x156: {  	v6 =	vld [tilespmem:$0x60];
	_ =	sdelay $0x4  }
0x157: {  	v7 =	vshll.u32 v6, $0x3  }
0x158: {  	v6 =	vand.u32 $0x7F, v6;
	v7 =	vand.u32 $0xFFFFFC00, v7  }
0x159: {  	v6 =	vor.u32 v6, v7  }
0x15a: {  	v6 =	vadd.s32 v4, v6;
	_ =	sdelay $0x4  }
0x15b: {  	[tilespmem:v6+s22+$0x0] =	vst.idx.msk $0xffff, v0  }
0x15c: {  	v6 =	vld [tilespmem:$0x70];
	_ =	sdelay $0x4  }
0x15d: {  	v7 =	vshll.u32 v6, $0x3  }
0x15e: {  	v6 =	vand.u32 $0x7F, v6;
	v7 =	vand.u32 $0xFFFFFC00, v7  }
0x15f: {  	v6 =	vor.u32 v6, v7  }
0x160: {  	v6 =	vadd.s32 v5, v6;
	_ =	sdelay $0x4  }
0x161: {  	[tilespmem:v6+s22+$0x0] =	vst.idx.msk $0xffff, v0  }
0x162: {  	v6 =	vld [tilespmem:$0xA0];
	_ =	sdelay $0x4  }
0x163: {  	v7 =	vshll.u32 v6, $0x3  }
0x164: {  	v6 =	vand.u32 $0x7F, v6;
	v7 =	vand.u32 $0xFFFFFC00, v7  }
0x165: {  	v6 =	vor.u32 v6, v7  }
0x166: {  	v6 =	vadd.s32 v4, v6;
	_ =	sdelay $0x4  }
0x167: {  	[tilespmem:v6+s22+$0x0] =	vst.idx.msk $0xffff, v2  }
0x168: {  	v6 =	vld [tilespmem:$0xB0];
	_ =	sdelay $0x4  }
0x169: {  	v7 =	vshll.u32 v6, $0x3  }
0x16a: {  	v6 =	vand.u32 $0x7F, v6;
	v7 =	vand.u32 $0xFFFFFC00, v7  }
0x16b: {  	v6 =	vor.u32 v6, v7  }
0x16c: {  	v6 =	vadd.s32 v5, v6;
	_ =	sdelay $0x4  }
0x16d: {  	[tilespmem:v6+s22+$0x0] =	vst.idx.msk $0xffff, v2  }
0x16e: {  	[hbm4b:s9+s2] =	stream.linear.scatter [tilespmem:s23], [sflag:$0x2], $0x8000, $0x38;
	[tilespmem:$0x10200] =	vst v63  }
0x16f: {  	_ =	swait.ge [sflag:s24], $0x8000  }
0x170: {  	[sflag:s24] =	ssyncset.done $0x0  }
0x171: {  	[sflag:s24] =	ssyncadd.s32 $0xFFFF8000  }
0x172: {  	v6 =	vld [tilespmem:$0x80];
	_ =	sdelay $0x4  }
0x173: {  	v7 =	vshll.u32 v6, $0x3  }
0x174: {  	v6 =	vand.u32 $0x7F, v6;
	v7 =	vand.u32 $0xFFFFFC00, v7  }
0x175: {  	v6 =	vor.u32 v6, v7  }
0x176: {  	v6 =	vadd.s32 v1, v6;
	_ =	sdelay $0x4  }
0x177: {  	[tilespmem:v6+s22+$0x0] =	vst.idx.msk $0xffff, v0  }
0x178: {  	v6 =	vld [tilespmem:$0x90];
	_ =	sdelay $0x4  }
0x179: {  	v7 =	vshll.u32 v6, $0x3  }
0x17a: {  	v6 =	vand.u32 $0x7F, v6;
	v7 =	vand.u32 $0xFFFFFC00, v7  }
0x17b: {  	v6 =	vor.u32 v6, v7  }
0x17c: {  	v6 =	vadd.s32 v3, v6;
	_ =	sdelay $0x4  }
0x17d: {  	[tilespmem:v6+s22+$0x0] =	vst.idx.msk $0xffff, v0  }
0x17e: {  	v6 =	vld [tilespmem:$0xC0];
	_ =	sdelay $0x4  }
0x17f: {  	v7 =	vshll.u32 v6, $0x3  }
0x180: {  	v6 =	vand.u32 $0x7F, v6;
	v7 =	vand.u32 $0xFFFFFC00, v7  }
0x181: {  	v6 =	vor.u32 v6, v7  }
0x182: {  	v6 =	vadd.s32 v1, v6;
	_ =	sdelay $0x4  }
0x183: {  	[tilespmem:v6+s22+$0x0] =	vst.idx.msk $0xffff, v2  }
0x184: {  	v6 =	vld [tilespmem:$0xD0];
	_ =	sdelay $0x4  }
0x185: {  	v7 =	vshll.u32 v6, $0x3  }
0x186: {  	v6 =	vand.u32 $0x7F, v6;
	v7 =	vand.u32 $0xFFFFFC00, v7  }
0x187: {  	v6 =	vor.u32 v6, v7  }
0x188: {  	v6 =	vadd.s32 v3, v6;
	_ =	sdelay $0x4  }
0x189: {  	[tilespmem:v6+s22+$0x0] =	vst.idx.msk $0xffff, v2  }
0x18a: {  	[hbm4b:s10+s2] =	stream.linear.scatter [tilespmem:s22], [sflag:$0x1], $0x8000, $0x38;
	[tilespmem:$0x10200] =	vst v63  }
0x18b: {  	_ =	swait.ge [sflag:s25], $0x8000  }
0x18c: {  	[sflag:s25] =	ssyncset.done $0x0  }
0x18d: {  	[sflag:s25] =	ssyncadd.s32 $0xFFFF8000  }
0x18e: {  	v6 =	vld [tilespmem:$0xA0];
	_ =	sdelay $0x4  }
0x18f: {  	v7 =	vshll.u32 v6, $0x3  }
0x190: {  	v6 =	vand.u32 $0x7F, v6;
	v7 =	vand.u32 $0xFFFFFC00, v7  }
0x191: {  	v6 =	vor.u32 v6, v7  }
0x192: {  	v6 =	vadd.s32 v4, v6;
	_ =	sdelay $0x4  }
0x193: {  	[tilespmem:v6+s22+$0x0] =	vst.idx.msk $0xffff, v0  }
0x194: {  	v6 =	vld [tilespmem:$0xB0];
	_ =	sdelay $0x4  }
0x195: {  	v7 =	vshll.u32 v6, $0x3  }
0x196: {  	v6 =	vand.u32 $0x7F, v6;
	v7 =	vand.u32 $0xFFFFFC00, v7  }
0x197: {  	v6 =	vor.u32 v6, v7  }
0x198: {  	v6 =	vadd.s32 v5, v6;
	_ =	sdelay $0x4  }
0x199: {  	[tilespmem:v6+s22+$0x0] =	vst.idx.msk $0xffff, v0  }
0x19a: {  	v6 =	vld [tilespmem:$0xE0];
	_ =	sdelay $0x4  }
0x19b: {  	v7 =	vshll.u32 v6, $0x3  }
0x19c: {  	v6 =	vand.u32 $0x7F, v6;
	v7 =	vand.u32 $0xFFFFFC00, v7  }
0x19d: {  	v6 =	vor.u32 v6, v7  }
0x19e: {  	v6 =	vadd.s32 v4, v6;
	_ =	sdelay $0x4  }
0x19f: {  	[tilespmem:v6+s22+$0x0] =	vst.idx.msk $0xffff, v2  }
0x1a0: {  	v6 =	vld [tilespmem:$0xF0];
	_ =	sdelay $0x4  }
0x1a1: {  	v7 =	vshll.u32 v6, $0x3  }
0x1a2: {  	v6 =	vand.u32 $0x7F, v6;
	v7 =	vand.u32 $0xFFFFFC00, v7  }
0x1a3: {  	v6 =	vor.u32 v6, v7  }
0x1a4: {  	v6 =	vadd.s32 v5, v6;
	_ =	sdelay $0x4  }
0x1a5: {  	[tilespmem:v6+s22+$0x0] =	vst.idx.msk $0xffff, v2  }
0x1a6: {  	[hbm4b:s11+s2] =	stream.linear.scatter [tilespmem:s23], [sflag:$0x2], $0x8000, $0x38;
	[tilespmem:$0x10200] =	vst v63  }
0x1a7: {  	_ =	swait.ge [sflag:s24], $0x8000  }
0x1a8: {  	[sflag:s24] =	ssyncset.done $0x0  }
0x1a9: {  	[sflag:s24] =	ssyncadd.s32 $0xFFFF8000  }
0x1aa: {  	v6 =	vld [tilespmem:$0xC0];
	_ =	sdelay $0x4  }
0x1ab: {  	v7 =	vshll.u32 v6, $0x3  }
0x1ac: {  	v6 =	vand.u32 $0x7F, v6;
	v7 =	vand.u32 $0xFFFFFC00, v7  }
0x1ad: {  	v6 =	vor.u32 v6, v7  }
0x1ae: {  	v6 =	vadd.s32 v1, v6;
	_ =	sdelay $0x4  }
0x1af: {  	[tilespmem:v6+s22+$0x0] =	vst.idx.msk $0xffff, v0  }
0x1b0: {  	v6 =	vld [tilespmem:$0xD0];
	_ =	sdelay $0x4  }
0x1b1: {  	v7 =	vshll.u32 v6, $0x3  }
0x1b2: {  	v6 =	vand.u32 $0x7F, v6;
	v7 =	vand.u32 $0xFFFFFC00, v7  }
0x1b3: {  	v6 =	vor.u32 v6, v7  }
0x1b4: {  	v6 =	vadd.s32 v3, v6;
	_ =	sdelay $0x4  }
0x1b5: {  	[tilespmem:v6+s22+$0x0] =	vst.idx.msk $0xffff, v0  }
0x1b6: {  	v6 =	vld [tilespmem:$0x100];
	_ =	sdelay $0x4  }
0x1b7: {  	v7 =	vshll.u32 v6, $0x3  }
0x1b8: {  	v6 =	vand.u32 $0x7F, v6;
	v7 =	vand.u32 $0xFFFFFC00, v7  }
0x1b9: {  	v6 =	vor.u32 v6, v7  }
0x1ba: {  	v6 =	vadd.s32 v1, v6;
	_ =	sdelay $0x4  }
0x1bb: {  	[tilespmem:v6+s22+$0x0] =	vst.idx.msk $0xffff, v2  }
0x1bc: {  	v6 =	vld [tilespmem:$0x110];
	_ =	sdelay $0x4  }
0x1bd: {  	v7 =	vshll.u32 v6, $0x3  }
0x1be: {  	v6 =	vand.u32 $0x7F, v6;
	v7 =	vand.u32 $0xFFFFFC00, v7  }
0x1bf: {  	v6 =	vor.u32 v6, v7  }
0x1c0: {  	v6 =	vadd.s32 v3, v6;
	_ =	sdelay $0x4  }
0x1c1: {  	[tilespmem:v6+s22+$0x0] =	vst.idx.msk $0xffff, v2  }
0x1c2: {  	[hbm4b:s12+s2] =	stream.linear.scatter [tilespmem:s22], [sflag:$0x1], $0x8000, $0x38;
	[tilespmem:$0x10200] =	vst v63  }
0x1c3: {  	_ =	swait.ge [sflag:s25], $0x8000  }
0x1c4: {  	[sflag:s25] =	ssyncset.done $0x0  }
0x1c5: {  	[sflag:s25] =	ssyncadd.s32 $0xFFFF8000  }
0x1c6: {  	v6 =	vld [tilespmem:$0xE0];
	_ =	sdelay $0x4  }
0x1c7: {  	v7 =	vshll.u32 v6, $0x3  }
0x1c8: {  	v6 =	vand.u32 $0x7F, v6;
	v7 =	vand.u32 $0xFFFFFC00, v7  }
0x1c9: {  	v6 =	vor.u32 v6, v7  }
0x1ca: {  	v6 =	vadd.s32 v4, v6;
	_ =	sdelay $0x4  }
0x1cb: {  	[tilespmem:v6+s22+$0x0] =	vst.idx.msk $0xffff, v0  }
0x1cc: {  	v6 =	vld [tilespmem:$0xF0];
	_ =	sdelay $0x4  }
0x1cd: {  	v7 =	vshll.u32 v6, $0x3  }
0x1ce: {  	v6 =	vand.u32 $0x7F, v6;
	v7 =	vand.u32 $0xFFFFFC00, v7  }
0x1cf: {  	v6 =	vor.u32 v6, v7  }
0x1d0: {  	v6 =	vadd.s32 v5, v6;
	_ =	sdelay $0x4  }
0x1d1: {  	[tilespmem:v6+s22+$0x0] =	vst.idx.msk $0xffff, v0  }
0x1d2: {  	v6 =	vld [tilespmem:$0x120];
	_ =	sdelay $0x4  }
0x1d3: {  	v7 =	vshll.u32 v6, $0x3  }
0x1d4: {  	v6 =	vand.u32 $0x7F, v6;
	v7 =	vand.u32 $0xFFFFFC00, v7  }
0x1d5: {  	v6 =	vor.u32 v6, v7  }
0x1d6: {  	v6 =	vadd.s32 v4, v6;
	_ =	sdelay $0x4  }
0x1d7: {  	[tilespmem:v6+s22+$0x0] =	vst.idx.msk $0xffff, v2  }
0x1d8: {  	v6 =	vld [tilespmem:$0x130];
	_ =	sdelay $0x4  }
0x1d9: {  	v7 =	vshll.u32 v6, $0x3  }
0x1da: {  	v6 =	vand.u32 $0x7F, v6;
	v7 =	vand.u32 $0xFFFFFC00, v7  }
0x1db: {  	v6 =	vor.u32 v6, v7  }
0x1dc: {  	v6 =	vadd.s32 v5, v6;
	_ =	sdelay $0x4  }
0x1dd: {  	[tilespmem:v6+s22+$0x0] =	vst.idx.msk $0xffff, v2  }
0x1de: {  	[hbm4b:s13+s2] =	stream.linear.scatter [tilespmem:s23], [sflag:$0x2], $0x8000, $0x38;
	[tilespmem:$0x10200] =	vst v63  }
0x1df: {  	_ =	swait.ge [sflag:s24], $0x8000  }
0x1e0: {  	[sflag:s24] =	ssyncset.done $0x0  }
0x1e1: {  	[sflag:s24] =	ssyncadd.s32 $0xFFFF8000  }
0x1e2: {  	v6 =	vld [tilespmem:$0x100];
	_ =	sdelay $0x4  }
0x1e3: {  	v7 =	vshll.u32 v6, $0x3  }
0x1e4: {  	v6 =	vand.u32 $0x7F, v6;
	v7 =	vand.u32 $0xFFFFFC00, v7  }
0x1e5: {  	v6 =	vor.u32 v6, v7  }
0x1e6: {  	v6 =	vadd.s32 v1, v6;
	_ =	sdelay $0x4  }
0x1e7: {  	[tilespmem:v6+s22+$0x0] =	vst.idx.msk $0xffff, v0  }
0x1e8: {  	v6 =	vld [tilespmem:$0x110];
	_ =	sdelay $0x4  }
0x1e9: {  	v7 =	vshll.u32 v6, $0x3  }
0x1ea: {  	v6 =	vand.u32 $0x7F, v6;
	v7 =	vand.u32 $0xFFFFFC00, v7  }
0x1eb: {  	v6 =	vor.u32 v6, v7  }
0x1ec: {  	v6 =	vadd.s32 v3, v6;
	_ =	sdelay $0x4  }
0x1ed: {  	[tilespmem:v6+s22+$0x0] =	vst.idx.msk $0xffff, v0  }
0x1ee: {  	v6 =	vld [tilespmem:$0x140];
	_ =	sdelay $0x4  }
0x1ef: {  	v7 =	vshll.u32 v6, $0x3  }
0x1f0: {  	v6 =	vand.u32 $0x7F, v6;
	v7 =	vand.u32 $0xFFFFFC00, v7  }
0x1f1: {  	v6 =	vor.u32 v6, v7  }
0x1f2: {  	v6 =	vadd.s32 v1, v6;
	_ =	sdelay $0x4  }
0x1f3: {  	[tilespmem:v6+s22+$0x0] =	vst.idx.msk $0xffff, v2  }
0x1f4: {  	v6 =	vld [tilespmem:$0x150];
	_ =	sdelay $0x4  }
0x1f5: {  	v7 =	vshll.u32 v6, $0x3  }
0x1f6: {  	v6 =	vand.u32 $0x7F, v6;
	v7 =	vand.u32 $0xFFFFFC00, v7  }
0x1f7: {  	v6 =	vor.u32 v6, v7  }
0x1f8: {  	v6 =	vadd.s32 v3, v6;
	_ =	sdelay $0x4  }
0x1f9: {  	[tilespmem:v6+s22+$0x0] =	vst.idx.msk $0xffff, v2  }
0x1fa: {  	[hbm4b:s14+s2] =	stream.linear.scatter [tilespmem:s22], [sflag:$0x1], $0x8000, $0x38;
	[tilespmem:$0x10200] =	vst v63  }
0x1fb: {  	_ =	swait.ge [sflag:s25], $0x8000  }
0x1fc: {  	[sflag:s25] =	ssyncset.done $0x0  }
0x1fd: {  	[sflag:s25] =	ssyncadd.s32 $0xFFFF8000  }
0x1fe: {  	v6 =	vld [tilespmem:$0x120];
	_ =	sdelay $0x4  }
0x1ff: {  	v7 =	vshll.u32 v6, $0x3  }
0x200: {  	v6 =	vand.u32 $0x7F, v6;
	v7 =	vand.u32 $0xFFFFFC00, v7  }
0x201: {  	v6 =	vor.u32 v6, v7  }
0x202: {  	v6 =	vadd.s32 v4, v6;
	_ =	sdelay $0x4  }
0x203: {  	[tilespmem:v6+s22+$0x0] =	vst.idx.msk $0xffff, v0  }
0x204: {  	v6 =	vld [tilespmem:$0x130];
	_ =	sdelay $0x4  }
0x205: {  	v7 =	vshll.u32 v6, $0x3  }
0x206: {  	v6 =	vand.u32 $0x7F, v6;
	v7 =	vand.u32 $0xFFFFFC00, v7  }
0x207: {  	v6 =	vor.u32 v6, v7  }
0x208: {  	v6 =	vadd.s32 v5, v6;
	_ =	sdelay $0x4  }
0x209: {  	[tilespmem:v6+s22+$0x0] =	vst.idx.msk $0xffff, v0  }
0x20a: {  	v6 =	vld [tilespmem:$0x160];
	_ =	sdelay $0x4  }
0x20b: {  	v7 =	vshll.u32 v6, $0x3  }
0x20c: {  	v6 =	vand.u32 $0x7F, v6;
	v7 =	vand.u32 $0xFFFFFC00, v7  }
0x20d: {  	v6 =	vor.u32 v6, v7  }
0x20e: {  	v6 =	vadd.s32 v4, v6;
	_ =	sdelay $0x4  }
0x20f: {  	[tilespmem:v6+s22+$0x0] =	vst.idx.msk $0xffff, v2  }
0x210: {  	v6 =	vld [tilespmem:$0x170];
	_ =	sdelay $0x4  }
0x211: {  	v7 =	vshll.u32 v6, $0x3  }
0x212: {  	v6 =	vand.u32 $0x7F, v6;
	v7 =	vand.u32 $0xFFFFFC00, v7  }
0x213: {  	v6 =	vor.u32 v6, v7  }
0x214: {  	v6 =	vadd.s32 v5, v6;
	_ =	sdelay $0x4  }
0x215: {  	[tilespmem:v6+s22+$0x0] =	vst.idx.msk $0xffff, v2  }
0x216: {  	[hbm4b:s15+s2] =	stream.linear.scatter [tilespmem:s23], [sflag:$0x2], $0x8000, $0x38;
	[tilespmem:$0x10200] =	vst v63  }
0x217: {  	_ =	swait.ge [sflag:s24], $0x8000  }
0x218: {  	[sflag:s24] =	ssyncset.done $0x0  }
0x219: {  	[sflag:s24] =	ssyncadd.s32 $0xFFFF8000  }
0x21a: {  	v6 =	vld [tilespmem:$0x140];
	_ =	sdelay $0x4  }
0x21b: {  	v7 =	vshll.u32 v6, $0x3  }
0x21c: {  	v6 =	vand.u32 $0x7F, v6;
	v7 =	vand.u32 $0xFFFFFC00, v7  }
0x21d: {  	v6 =	vor.u32 v6, v7  }
0x21e: {  	v6 =	vadd.s32 v1, v6;
	_ =	sdelay $0x4  }
0x21f: {  	[tilespmem:v6+s22+$0x0] =	vst.idx.msk $0xffff, v0  }
0x220: {  	v6 =	vld [tilespmem:$0x150];
	_ =	sdelay $0x4  }
0x221: {  	v7 =	vshll.u32 v6, $0x3  }
0x222: {  	v6 =	vand.u32 $0x7F, v6;
	v7 =	vand.u32 $0xFFFFFC00, v7  }
0x223: {  	v6 =	vor.u32 v6, v7  }
0x224: {  	v6 =	vadd.s32 v3, v6;
	_ =	sdelay $0x4  }
0x225: {  	[tilespmem:v6+s22+$0x0] =	vst.idx.msk $0xffff, v0  }
0x226: {  	v6 =	vld [tilespmem:$0x180];
	_ =	sdelay $0x4  }
0x227: {  	v7 =	vshll.u32 v6, $0x3  }
0x228: {  	v6 =	vand.u32 $0x7F, v6;
	v7 =	vand.u32 $0xFFFFFC00, v7  }
0x229: {  	v6 =	vor.u32 v6, v7  }
0x22a: {  	v6 =	vadd.s32 v1, v6;
	_ =	sdelay $0x4  }
0x22b: {  	[tilespmem:v6+s22+$0x0] =	vst.idx.msk $0xffff, v2  }
0x22c: {  	v6 =	vld [tilespmem:$0x190];
	_ =	sdelay $0x4  }
0x22d: {  	v7 =	vshll.u32 v6, $0x3  }
0x22e: {  	v6 =	vand.u32 $0x7F, v6;
	v7 =	vand.u32 $0xFFFFFC00, v7  }
0x22f: {  	v6 =	vor.u32 v6, v7  }
0x230: {  	v6 =	vadd.s32 v3, v6;
	_ =	sdelay $0x4  }
0x231: {  	[tilespmem:v6+s22+$0x0] =	vst.idx.msk $0xffff, v2  }
0x232: {  	[hbm4b:s16+s2] =	stream.linear.scatter [tilespmem:s22], [sflag:$0x1], $0x8000, $0x38;
	[tilespmem:$0x10200] =	vst v63  }
0x233: {  	_ =	swait.ge [sflag:s25], $0x8000  }
0x234: {  	[sflag:s25] =	ssyncset.done $0x0  }
0x235: {  	[sflag:s25] =	ssyncadd.s32 $0xFFFF8000  }
0x236: {  	v6 =	vld [tilespmem:$0x160];
	_ =	sdelay $0x4  }
0x237: {  	v7 =	vshll.u32 v6, $0x3  }
0x238: {  	v6 =	vand.u32 $0x7F, v6;
	v7 =	vand.u32 $0xFFFFFC00, v7  }
0x239: {  	v6 =	vor.u32 v6, v7  }
0x23a: {  	v6 =	vadd.s32 v4, v6;
	_ =	sdelay $0x4  }
0x23b: {  	[tilespmem:v6+s22+$0x0] =	vst.idx.msk $0xffff, v0  }
0x23c: {  	v6 =	vld [tilespmem:$0x170];
	_ =	sdelay $0x4  }
0x23d: {  	v7 =	vshll.u32 v6, $0x3  }
0x23e: {  	v6 =	vand.u32 $0x7F, v6;
	v7 =	vand.u32 $0xFFFFFC00, v7  }
0x23f: {  	v6 =	vor.u32 v6, v7  }
0x240: {  	v6 =	vadd.s32 v5, v6;
	_ =	sdelay $0x4  }
0x241: {  	[tilespmem:v6+s22+$0x0] =	vst.idx.msk $0xffff, v0  }
0x242: {  	v6 =	vld [tilespmem:$0x1A0];
	_ =	sdelay $0x4  }
0x243: {  	v7 =	vshll.u32 v6, $0x3  }
0x244: {  	v6 =	vand.u32 $0x7F, v6;
	v7 =	vand.u32 $0xFFFFFC00, v7  }
0x245: {  	v6 =	vor.u32 v6, v7  }
0x246: {  	v6 =	vadd.s32 v4, v6;
	_ =	sdelay $0x4  }
0x247: {  	[tilespmem:v6+s22+$0x0] =	vst.idx.msk $0xffff, v2  }
0x248: {  	v6 =	vld [tilespmem:$0x1B0];
	_ =	sdelay $0x4  }
0x249: {  	v7 =	vshll.u32 v6, $0x3  }
0x24a: {  	v6 =	vand.u32 $0x7F, v6;
	v7 =	vand.u32 $0xFFFFFC00, v7  }
0x24b: {  	v6 =	vor.u32 v6, v7  }
0x24c: {  	v6 =	vadd.s32 v5, v6;
	_ =	sdelay $0x4  }
0x24d: {  	[tilespmem:v6+s22+$0x0] =	vst.idx.msk $0xffff, v2  }
0x24e: {  	[hbm4b:s17+s2] =	stream.linear.scatter [tilespmem:s23], [sflag:$0x2], $0x8000, $0x38;
	[tilespmem:$0x10200] =	vst v63  }
0x24f: {  	_ =	swait.ge [sflag:s24], $0x8000  }
0x250: {  	[sflag:s24] =	ssyncset.done $0x0  }
0x251: {  	[sflag:s24] =	ssyncadd.s32 $0xFFFF8000  }
0x252: {  	v6 =	vld [tilespmem:$0x180];
	_ =	sdelay $0x4  }
0x253: {  	v7 =	vshll.u32 v6, $0x3  }
0x254: {  	v6 =	vand.u32 $0x7F, v6;
	v7 =	vand.u32 $0xFFFFFC00, v7  }
0x255: {  	v6 =	vor.u32 v6, v7  }
0x256: {  	v6 =	vadd.s32 v1, v6;
	_ =	sdelay $0x4  }
0x257: {  	[tilespmem:v6+s22+$0x0] =	vst.idx.msk $0xffff, v0  }
0x258: {  	v6 =	vld [tilespmem:$0x190];
	_ =	sdelay $0x4  }
0x259: {  	v7 =	vshll.u32 v6, $0x3  }
0x25a: {  	v6 =	vand.u32 $0x7F, v6;
	v7 =	vand.u32 $0xFFFFFC00, v7  }
0x25b: {  	v6 =	vor.u32 v6, v7  }
0x25c: {  	v6 =	vadd.s32 v3, v6;
	_ =	sdelay $0x4  }
0x25d: {  	[tilespmem:v6+s22+$0x0] =	vst.idx.msk $0xffff, v0  }
0x25e: {  	v6 =	vld [tilespmem:$0x1C0];
	_ =	sdelay $0x4  }
0x25f: {  	v7 =	vshll.u32 v6, $0x3  }
0x260: {  	v6 =	vand.u32 $0x7F, v6;
	v7 =	vand.u32 $0xFFFFFC00, v7  }
0x261: {  	v6 =	vor.u32 v6, v7  }
0x262: {  	v6 =	vadd.s32 v1, v6;
	_ =	sdelay $0x4  }
0x263: {  	[tilespmem:v6+s22+$0x0] =	vst.idx.msk $0xffff, v2  }
0x264: {  	v6 =	vld [tilespmem:$0x1D0];
	_ =	sdelay $0x4  }
0x265: {  	v7 =	vshll.u32 v6, $0x3  }
0x266: {  	v6 =	vand.u32 $0x7F, v6;
	v7 =	vand.u32 $0xFFFFFC00, v7  }
0x267: {  	v6 =	vor.u32 v6, v7  }
0x268: {  	v6 =	vadd.s32 v3, v6;
	_ =	sdelay $0x4  }
0x269: {  	[tilespmem:v6+s22+$0x0] =	vst.idx.msk $0xffff, v2  }
0x26a: {  	[hbm4b:s18+s2] =	stream.linear.scatter [tilespmem:s22], [sflag:$0x1], $0x8000, $0x38;
	[tilespmem:$0x10200] =	vst v63  }
0x26b: {  	_ =	swait.ge [sflag:s25], $0x8000  }
0x26c: {  	[sflag:s25] =	ssyncset.done $0x0  }
0x26d: {  	[sflag:s25] =	ssyncadd.s32 $0xFFFF8000  }
0x26e: {  	v6 =	vld [tilespmem:$0x1A0];
	_ =	sdelay $0x4  }
0x26f: {  	v7 =	vshll.u32 v6, $0x3  }
0x270: {  	v6 =	vand.u32 $0x7F, v6;
	v7 =	vand.u32 $0xFFFFFC00, v7  }
0x271: {  	v6 =	vor.u32 v6, v7  }
0x272: {  	v6 =	vadd.s32 v4, v6;
	_ =	sdelay $0x4  }
0x273: {  	[tilespmem:v6+s22+$0x0] =	vst.idx.msk $0xffff, v0  }
0x274: {  	v6 =	vld [tilespmem:$0x1B0];
	_ =	sdelay $0x4  }
0x275: {  	v7 =	vshll.u32 v6, $0x3  }
0x276: {  	v6 =	vand.u32 $0x7F, v6;
	v7 =	vand.u32 $0xFFFFFC00, v7  }
0x277: {  	v6 =	vor.u32 v6, v7  }
0x278: {  	v6 =	vadd.s32 v5, v6;
	_ =	sdelay $0x4  }
0x279: {  	[tilespmem:v6+s22+$0x0] =	vst.idx.msk $0xffff, v0  }
0x27a: {  	v6 =	vld [tilespmem:$0x1E0];
	_ =	sdelay $0x4  }
0x27b: {  	v7 =	vshll.u32 v6, $0x3  }
0x27c: {  	v6 =	vand.u32 $0x7F, v6;
	v7 =	vand.u32 $0xFFFFFC00, v7  }
0x27d: {  	v6 =	vor.u32 v6, v7  }
0x27e: {  	v6 =	vadd.s32 v4, v6;
	_ =	sdelay $0x4  }
0x27f: {  	[tilespmem:v6+s22+$0x0] =	vst.idx.msk $0xffff, v2  }
0x280: {  	v6 =	vld [tilespmem:$0x1F0];
	_ =	sdelay $0x4  }
0x281: {  	v7 =	vshll.u32 v6, $0x3  }
0x282: {  	v6 =	vand.u32 $0x7F, v6;
	v7 =	vand.u32 $0xFFFFFC00, v7  }
0x283: {  	v6 =	vor.u32 v6, v7  }
0x284: {  	v6 =	vadd.s32 v5, v6;
	_ =	sdelay $0x4  }
0x285: {  	s26 =	sadd.s32 $0x1, s26;
	[tilespmem:v6+s22+$0x0] =	vst.idx.msk $0xffff, v2  }
0x286: {  	[hbm4b:s19+s2] =	stream.linear.scatter [tilespmem:s23], [sflag:$0x2], $0x8000, $0x38;
	[tilespmem:$0x10200] =	vst v63  }
0x287: {  	p0 =	sne.s32 s26, s20;
	_ =	swait.ge [sflag:s24], $0x8000  }
.Ltmp2:
0x288: {  	[sflag:s24] =	ssyncset.done $0x0;
	(pc) =	sbr.rel @p0 .LBB2_1-.Ltmp2, $4  }
0x289: {  	[sflag:s24] =	ssyncadd.s32 $0xFFFF8000  }
0x28a: {  	_ =	swait.ge [sflag:s25], $0x8000  }
0x28b: {  	[sflag:s25] =	ssyncset.done $0x0  }
0x28c: {  	[sflag:s25] =	ssyncadd.s32 $0xFFFF8000  }
0x28d: {  	_ =	sfence.sel $0x180000  }
0x28e: {  	[bflag:$0x0] =	sbarrier.arrive $0xFFFF  }
0x28f: {  	_ =	strace $0x90000047  }
0x290: {  	s0 =	stileid.u32;
	[bflag:$0x2] =	sbarrier.arrive $0xFFFF  }
0x291: {  	p0 =	sne.s32 s0, $0x0;
	s0 =	rddreg [dreg:$0x2]  }
0x292: {  	s0 =	sadd.s32 @!p0 $0x100000, s0  }
0x293: {  	[sflag:s0] =	ssyncadd.tile.s32 @!p0 $0x1;
	_ =	shalt  }
.Lfunc_end2:
_tile_overlayer_lowered:
.L_overlay_start_2:
0x294: {  	(tag) =	ssettag $0x2  }
0x295: {  	s0 =	rddreg [dreg:$0x0];
	s2 =	stileid.u32  }
0x296: {  	s1 =	rddreg [dreg:$0x1];
	p0 =	sne.s32 s2, $0x0  }
0x297: {  	s3 =	rddreg [dreg:$0x2];
	[bflag:$0x3] =	sbarrier.arrive $0xFFFF;
	s2 =	simm.s32 @!p0 $0x1C04  }
0x298: {  	[timem:s3], [sflag:s2] =	dma.local @!p0 [hbm:s0], s1  }
0x299: {  	s0 =	simm.s32 @!p0 $0x4  }
0x29a: {  	_ =	swait.ge @!p0 [sflag:s0], s1  }
0x29b: {  	s1 =	ssub.s32 @!p0 $0x0, s1;
	[sflag:s0] =	ssyncset.done @!p0 $0x0  }
0x29c: {  	[sflag:s0] =	ssyncadd.s32 @!p0 s1  }
0x29d: {  	[bflag:$0x3] =	sbarrier.arrive $0xFFFF  }
0x29e: {  	_ =	shalt  }

</sc_bundles>
